<compile_context>
chip_gen: v7x
topology: tpu7x:2x2x1
jax: 0.10.2.dev20260603
libtpu: 0.0.44.dev20260713+nightly
codegen_flags: <defaults>
</compile_context>

<pallas_src>
import functools

import jax
import jax.numpy as jnp
from jax import lax
from jax.experimental import pallas as pl
from jax.experimental.pallas import tpu as pltpu
from jax.experimental.pallas import tpu_sc as plsc

NUM_BUCKETS = 100000
EMBED_DIM = 128
BATCH = 16384

NUM_CORES = 2
NUM_SUBCORES = 16
NUM_WORKERS = NUM_CORES * NUM_SUBCORES
B_PER_W = BATCH // NUM_WORKERS
LANES = 16
CHUNKS = ((0, 128), (128, 128), (256, 128), (384, 96), (480, 32))


def _sc_embed_lookup(x_hbm, table_hbm, out_hbm, idx_v, rows_v, sem,
                     store_sem, idx_sem):
    wid = lax.axis_index("s") * NUM_CORES + lax.axis_index("c")
    base = wid * B_PER_W

    pltpu.sync_copy(x_hbm.at[pl.ds(base, CHUNKS[0][1])],
                    idx_v.at[pl.ds(0, CHUNKS[0][1])])
    rest = CHUNKS[1][0]
    idx_cp = pltpu.async_copy(x_hbm.at[pl.ds(base + rest, B_PER_W - rest)],
                              idx_v.at[pl.ds(rest, B_PER_W - rest)], idx_sem)

    gathers = []
    for c, (off, size) in enumerate(CHUNKS):
        if c == 1:
            idx_cp.wait()
        for i in range(size // LANES):
            v = idx_v[pl.ds(off + i * LANES, LANES)]
            q = (v.astype(jnp.float32) * jnp.float32(1.0 / NUM_BUCKETS)
                 ).astype(jnp.int32)
            r = v - q * NUM_BUCKETS
            r = jnp.where(r < 0, r + NUM_BUCKETS, r)
            r = jnp.where(r >= NUM_BUCKETS, r - NUM_BUCKETS, r)
            idx_v[pl.ds(off + i * LANES, LANES)] = r
        gathers.append(pltpu.async_copy(
            table_hbm.at[idx_v.at[pl.ds(off, size)]],
            rows_v.at[pl.ds(off, size)],
            sem))

    stores = []
    for c, (off, size) in enumerate(CHUNKS):
        gathers[c].wait()
        stores.append(pltpu.async_copy(
            rows_v.at[pl.ds(off, size)],
            out_hbm.at[pl.ds(base + off, size)],
            store_sem))
    for cp in stores:
        cp.wait()


@jax.jit
def kernel(x, emb_weight):
    x1 = x.astype(jnp.int32)
    mesh = plsc.VectorSubcoreMesh(
        core_axis_name="c", subcore_axis_name="s",
        num_cores=NUM_CORES, num_subcores=NUM_SUBCORES)
    f = functools.partial(
        pl.kernel,
        out_type=jax.ShapeDtypeStruct((BATCH, EMBED_DIM), jnp.float32),
        mesh=mesh,
        scratch_types=[
            pltpu.VMEM((B_PER_W,), jnp.int32),
            pltpu.VMEM((B_PER_W, EMBED_DIM), jnp.float32),
            pltpu.SemaphoreType.DMA,
            pltpu.SemaphoreType.DMA,
            pltpu.SemaphoreType.DMA,
        ],
    )(_sc_embed_lookup)
    return f(x1, emb_weight)

# --- scband reference (transcript-rebuilt; emitter-appended) ---
"""Pipeline reference for scband-user-id-embedder-9320079032585 (READ-ONLY COPY).

The authoritative reference and input builder live on the scoring server;
editing this copy changes nothing except your own understanding.
"""

import jax, jax.numpy as jnp
import numpy as np

NUM_BUCKETS = 100000
EMBED_DIM = 128
BATCH = 16384

def setup_inputs(seed: int = 0) -> dict:
    key = jax.random.key(seed)
    k1, k2 = jax.random.split(key)
    x = jax.random.randint(k1, (BATCH,), 0, 1000000, dtype=jnp.int64) if jax.config.jax_enable_x64 else jax.random.randint(k1, (BATCH,), 0, 1000000, dtype=jnp.int32)
    # embedding table, init like nn.Embedding (N(0,1))
    emb_weight = jax.random.normal(k2, (NUM_BUCKETS, EMBED_DIM), dtype=jnp.float32)
    return {"x": x, "emb_weight": emb_weight}

def reference(x, emb_weight):
    hashed_indices = x % NUM_BUCKETS
    return jnp.take(emb_weight, hashed_indices, axis=0)

if __name__ == "__main__":
    import jax
    _d = setup_inputs()
    print(jax.jit(kernel)(*tuple(_d.values())))

</pallas_src>

<mosaic_0001>
#map = affine_map<(d0, d1) -> (0)>
#map1 = affine_map<(d0, d1) -> (0, 0)>
module attributes {stable_mosaic.version = 14 : i64} {
  func.func @_sc_embed_lookup(%arg0: i32, %arg1: i32, %arg2: memref<16384xi32, #tpu.memory_space<hbm>>, %arg3: memref<100000x128xf32, #tpu.memory_space<hbm>>, %arg4: memref<16384x128xf32, #tpu.memory_space<hbm>>, %arg5: memref<512xi32, #tpu.memory_space<vmem>>, %arg6: memref<512x128xf32, #tpu.memory_space<vmem>>, %arg7: memref<!tpu.dma_semaphore, #tpu.memory_space<semaphore_mem>>, %arg8: memref<!tpu.dma_semaphore, #tpu.memory_space<semaphore_mem>>, %arg9: memref<!tpu.dma_semaphore, #tpu.memory_space<semaphore_mem>>) attributes {dimension_semantics = [#tpu.dimension_semantics<core_parallel>, #tpu.dimension_semantics<subcore_parallel>], iteration_bounds = array<i64: 2, 16>, scalar_prefetch = 0 : i64, scratch_operands = 5 : i64, tpu.core_type = #tpu.core_type<sc_vector_subcore>, window_params = [{transform_indices = #map}, {transform_indices = #map1}, {transform_indices = #map1}]} {
    %mul3A = arith.constant 2 : i32
    %mul3A_0 = arith.muli %arg1, %mul3A : i32
    %add3A = arith.addi %mul3A_0, %arg0 : i32
    %mul3A_1 = arith.constant 512 : i32
    %mul3A_2 = arith.muli %add3A, %mul3A_1 : i32
    "tpu.region"() ({
      %run_scoped3A = tpu.sem_alloc : memref<!tpu.dma_semaphore, #tpu.memory_space<semaphore_mem>>
      %dma_start3A_1158 = arith.constant 0 : i32
      %dma_start3A_1159 = tpu.memref_slice %arg5[%dma_start3A_1158] : memref<512xi32, #tpu.memory_space<vmem>> -> memref<128xi32, #tpu.memory_space<vmem>>
      %dma_start3A_1160 = tpu.memref_slice %arg2[%mul3A_2] : memref<16384xi32, #tpu.memory_space<hbm>> -> memref<128xi32, #tpu.memory_space<hbm>>
      %dma_start3A_1161 = arith.constant 0 : i32
      %dma_start3A_1162 = tpu.memref_slice %arg5[%dma_start3A_1161] : memref<512xi32, #tpu.memory_space<vmem>> -> memref<128xi32, #tpu.memory_space<vmem>>
      %dma_start3A_1163 = tpu.memref_slice %arg2[%mul3A_2] : memref<16384xi32, #tpu.memory_space<hbm>> -> memref<128xi32, #tpu.memory_space<hbm>>
      tpu.enqueue_dma source(%dma_start3A_1163 : memref<128xi32, #tpu.memory_space<hbm>>) target(%dma_start3A_1162 : memref<128xi32, #tpu.memory_space<vmem>>) target_semaphore(%run_scoped3A : memref<!tpu.dma_semaphore, #tpu.memory_space<semaphore_mem>>)
      %dma_wait3A_1164 = arith.constant 0 : i32
      %dma_wait3A_1165 = tpu.memref_slice %arg5[%dma_wait3A_1164] : memref<512xi32, #tpu.memory_space<vmem>> -> memref<128xi32, #tpu.memory_space<vmem>>
      %dma_wait3A_1166 = tpu.memref_slice %arg2[%mul3A_2] : memref<16384xi32, #tpu.memory_space<hbm>> -> memref<128xi32, #tpu.memory_space<hbm>>
      %dma_wait3A_1167 = arith.constant 0 : i32
      %dma_wait3A_1168 = tpu.memref_slice %arg5[%dma_wait3A_1167] : memref<512xi32, #tpu.memory_space<vmem>> -> memref<128xi32, #tpu.memory_space<vmem>>
      %dma_wait3A_1169 = tpu.memref_slice %arg2[%mul3A_2] : memref<16384xi32, #tpu.memory_space<hbm>> -> memref<128xi32, #tpu.memory_space<hbm>>
      tpu.wait_dma2 semaphore(%run_scoped3A : memref<!tpu.dma_semaphore, #tpu.memory_space<semaphore_mem>>) src(%dma_wait3A_1169 : memref<128xi32, #tpu.memory_space<hbm>>) dst(%dma_wait3A_1168 : memref<128xi32, #tpu.memory_space<vmem>>)
      tpu.yield
    }) : () -> ()
    %add3A_3 = arith.constant 128 : i32
    %add3A_4 = arith.addi %mul3A_2, %add3A_3 : i32
    %dma_start3A = arith.constant 128 : i32
    %dma_start3A_5 = tpu.memref_slice %arg5[%dma_start3A] : memref<512xi32, #tpu.memory_space<vmem>> -> memref<384xi32, #tpu.memory_space<vmem>>
    %dma_start3A_6 = tpu.memref_slice %arg2[%add3A_4] : memref<16384xi32, #tpu.memory_space<hbm>> -> memref<384xi32, #tpu.memory_space<hbm>>
    %dma_start3A_7 = arith.constant 128 : i32
    %dma_start3A_8 = tpu.memref_slice %arg5[%dma_start3A_7] : memref<512xi32, #tpu.memory_space<vmem>> -> memref<384xi32, #tpu.memory_space<vmem>>
    %dma_start3A_9 = tpu.memref_slice %arg2[%add3A_4] : memref<16384xi32, #tpu.memory_space<hbm>> -> memref<384xi32, #tpu.memory_space<hbm>>
    tpu.enqueue_dma source(%dma_start3A_9 : memref<384xi32, #tpu.memory_space<hbm>>) target(%dma_start3A_8 : memref<384xi32, #tpu.memory_space<vmem>>) target_semaphore(%arg9 : memref<!tpu.dma_semaphore, #tpu.memory_space<semaphore_mem>>)
    %get3A = arith.constant 0 : index
    %get3A_10 = tpu.vector_load %arg5[%get3A] {strides = array<i32>} : memref<512xi32, #tpu.memory_space<vmem>>, vector<16xi32>,
    %get3A_11 = vector.shape_cast %get3A_10 : vector<16xi32> to vector<16xi32>
    %convert_element_type3A = arith.sitofp %get3A_11 : vector<16xi32> to vector<16xf32>
    %mul3A_12 = arith.constant 9.99999974E-6 : f32
    %mul3A_13 = vector.broadcast %mul3A_12 : f32 to vector<16xf32>
    %mul3A_14 = arith.mulf %convert_element_type3A, %mul3A_13 : vector<16xf32>
    %convert_element_type3A_15 = arith.fptosi %mul3A_14 : vector<16xf32> to vector<16xi32>
    %mul3A_16 = arith.constant 100000 : i32
    %mul3A_17 = vector.broadcast %mul3A_16 : i32 to vector<16xi32>
    %mul3A_18 = arith.muli %convert_element_type3A_15, %mul3A_17 : vector<16xi32>
    %sub3A = arith.subi %get3A_11, %mul3A_18 : vector<16xi32>
    %lt3A = arith.constant 0 : i32
    %lt3A_19 = vector.broadcast %lt3A : i32 to vector<16xi32>
    %lt3A_20 = arith.cmpi slt, %sub3A, %lt3A_19 : vector<16xi32>
    %add3A_21 = arith.constant 100000 : i32
    %add3A_22 = vector.broadcast %add3A_21 : i32 to vector<16xi32>
    %add3A_23 = arith.addi %sub3A, %add3A_22 : vector<16xi32>
    %select_n3A = arith.select %lt3A_20, %add3A_23, %sub3A : vector<16xi1>, vector<16xi32>
    %ge3A = arith.constant 100000 : i32
    %ge3A_24 = vector.broadcast %ge3A : i32 to vector<16xi32>
    %ge3A_25 = arith.cmpi sge, %select_n3A, %ge3A_24 : vector<16xi32>
    %sub3A_26 = arith.constant 100000 : i32
    %sub3A_27 = vector.broadcast %sub3A_26 : i32 to vector<16xi32>
    %sub3A_28 = arith.subi %select_n3A, %sub3A_27 : vector<16xi32>
    %select_n3A_29 = arith.select %ge3A_25, %sub3A_28, %select_n3A : vector<16xi1>, vector<16xi32>
    %swap3A = arith.constant 0 : index
    %swap3A_30 = tpu.vector_load %arg5[%swap3A] {strides = array<i32>} : memref<512xi32, #tpu.memory_space<vmem>>, vector<16xi32>,
    %swap3A_31 = vector.shape_cast %swap3A_30 : vector<16xi32> to vector<16xi32>
    %swap3A_32 = vector.shape_cast %select_n3A_29 : vector<16xi32> to vector<16xi32>
    tpu.vector_store %arg5[%swap3A], %swap3A_32 {strides = array<i32>} : memref<512xi32, #tpu.memory_space<vmem>>, vector<16xi32>,
    %get3A_33 = arith.constant 16 : index
    %get3A_34 = tpu.vector_load %arg5[%get3A_33] {strides = array<i32>} : memref<512xi32, #tpu.memory_space<vmem>>, vector<16xi32>,
    %get3A_35 = vector.shape_cast %get3A_34 : vector<16xi32> to vector<16xi32>
    %convert_element_type3A_36 = arith.sitofp %get3A_35 : vector<16xi32> to vector<16xf32>
    %mul3A_37 = arith.constant 9.99999974E-6 : f32
    %mul3A_38 = vector.broadcast %mul3A_37 : f32 to vector<16xf32>
    %mul3A_39 = arith.mulf %convert_element_type3A_36, %mul3A_38 : vector<16xf32>
    %convert_element_type3A_40 = arith.fptosi %mul3A_39 : vector<16xf32> to vector<16xi32>
    %mul3A_41 = arith.constant 100000 : i32
    %mul3A_42 = vector.broadcast %mul3A_41 : i32 to vector<16xi32>
    %mul3A_43 = arith.muli %convert_element_type3A_40, %mul3A_42 : vector<16xi32>
    %sub3A_44 = arith.subi %get3A_35, %mul3A_43 : vector<16xi32>
    %lt3A_45 = arith.constant 0 : i32
    %lt3A_46 = vector.broadcast %lt3A_45 : i32 to vector<16xi32>
    %lt3A_47 = arith.cmpi slt, %sub3A_44, %lt3A_46 : vector<16xi32>
    %add3A_48 = arith.constant 100000 : i32
    %add3A_49 = vector.broadcast %add3A_48 : i32 to vector<16xi32>
    %add3A_50 = arith.addi %sub3A_44, %add3A_49 : vector<16xi32>
    %select_n3A_51 = arith.select %lt3A_47, %add3A_50, %sub3A_44 : vector<16xi1>, vector<16xi32>
    %ge3A_52 = arith.constant 100000 : i32
    %ge3A_53 = vector.broadcast %ge3A_52 : i32 to vector<16xi32>
    %ge3A_54 = arith.cmpi sge, %select_n3A_51, %ge3A_53 : vector<16xi32>
    %sub3A_55 = arith.constant 100000 : i32
    %sub3A_56 = vector.broadcast %sub3A_55 : i32 to vector<16xi32>
    %sub3A_57 = arith.subi %select_n3A_51, %sub3A_56 : vector<16xi32>
    %select_n3A_58 = arith.select %ge3A_54, %sub3A_57, %select_n3A_51 : vector<16xi1>, vector<16xi32>
    %swap3A_59 = arith.constant 16 : index
    %swap3A_60 = tpu.vector_load %arg5[%swap3A_59] {strides = array<i32>} : memref<512xi32, #tpu.memory_space<vmem>>, vector<16xi32>,
    %swap3A_61 = vector.shape_cast %swap3A_60 : vector<16xi32> to vector<16xi32>
    %swap3A_62 = vector.shape_cast %select_n3A_58 : vector<16xi32> to vector<16xi32>
    tpu.vector_store %arg5[%swap3A_59], %swap3A_62 {strides = array<i32>} : memref<512xi32, #tpu.memory_space<vmem>>, vector<16xi32>,
    %get3A_63 = arith.constant 32 : index
    %get3A_64 = tpu.vector_load %arg5[%get3A_63] {strides = array<i32>} : memref<512xi32, #tpu.memory_space<vmem>>, vector<16xi32>,
    %get3A_65 = vector.shape_cast %get3A_64 : vector<16xi32> to vector<16xi32>
    %convert_element_type3A_66 = arith.sitofp %get3A_65 : vector<16xi32> to vector<16xf32>
    %mul3A_67 = arith.constant 9.99999974E-6 : f32
    %mul3A_68 = vector.broadcast %mul3A_67 : f32 to vector<16xf32>
    %mul3A_69 = arith.mulf %convert_element_type3A_66, %mul3A_68 : vector<16xf32>
    %convert_element_type3A_70 = arith.fptosi %mul3A_69 : vector<16xf32> to vector<16xi32>
    %mul3A_71 = arith.constant 100000 : i32
    %mul3A_72 = vector.broadcast %mul3A_71 : i32 to vector<16xi32>
    %mul3A_73 = arith.muli %convert_element_type3A_70, %mul3A_72 : vector<16xi32>
    %sub3A_74 = arith.subi %get3A_65, %mul3A_73 : vector<16xi32>
    %lt3A_75 = arith.constant 0 : i32
    %lt3A_76 = vector.broadcast %lt3A_75 : i32 to vector<16xi32>
    %lt3A_77 = arith.cmpi slt, %sub3A_74, %lt3A_76 : vector<16xi32>
    %add3A_78 = arith.constant 100000 : i32
    %add3A_79 = vector.broadcast %add3A_78 : i32 to vector<16xi32>
    %add3A_80 = arith.addi %sub3A_74, %add3A_79 : vector<16xi32>
    %select_n3A_81 = arith.select %lt3A_77, %add3A_80, %sub3A_74 : vector<16xi1>, vector<16xi32>
    %ge3A_82 = arith.constant 100000 : i32
    %ge3A_83 = vector.broadcast %ge3A_82 : i32 to vector<16xi32>
    %ge3A_84 = arith.cmpi sge, %select_n3A_81, %ge3A_83 : vector<16xi32>
    %sub3A_85 = arith.constant 100000 : i32
    %sub3A_86 = vector.broadcast %sub3A_85 : i32 to vector<16xi32>
    %sub3A_87 = arith.subi %select_n3A_81, %sub3A_86 : vector<16xi32>
    %select_n3A_88 = arith.select %ge3A_84, %sub3A_87, %select_n3A_81 : vector<16xi1>, vector<16xi32>
    %swap3A_89 = arith.constant 32 : index
    %swap3A_90 = tpu.vector_load %arg5[%swap3A_89] {strides = array<i32>} : memref<512xi32, #tpu.memory_space<vmem>>, vector<16xi32>,
    %swap3A_91 = vector.shape_cast %swap3A_90 : vector<16xi32> to vector<16xi32>
    %swap3A_92 = vector.shape_cast %select_n3A_88 : vector<16xi32> to vector<16xi32>
    tpu.vector_store %arg5[%swap3A_89], %swap3A_92 {strides = array<i32>} : memref<512xi32, #tpu.memory_space<vmem>>, vector<16xi32>,
    %get3A_93 = arith.constant 48 : index
    %get3A_94 = tpu.vector_load %arg5[%get3A_93] {strides = array<i32>} : memref<512xi32, #tpu.memory_space<vmem>>, vector<16xi32>,
    %get3A_95 = vector.shape_cast %get3A_94 : vector<16xi32> to vector<16xi32>
    %convert_element_type3A_96 = arith.sitofp %get3A_95 : vector<16xi32> to vector<16xf32>
    %mul3A_97 = arith.constant 9.99999974E-6 : f32
    %mul3A_98 = vector.broadcast %mul3A_97 : f32 to vector<16xf32>
    %mul3A_99 = arith.mulf %convert_element_type3A_96, %mul3A_98 : vector<16xf32>
    %convert_element_type3A_100 = arith.fptosi %mul3A_99 : vector<16xf32> to vector<16xi32>
    %mul3A_101 = arith.constant 100000 : i32
    %mul3A_102 = vector.broadcast %mul3A_101 : i32 to vector<16xi32>
    %mul3A_103 = arith.muli %convert_element_type3A_100, %mul3A_102 : vector<16xi32>
    %sub3A_104 = arith.subi %get3A_95, %mul3A_103 : vector<16xi32>
    %lt3A_105 = arith.constant 0 : i32
    %lt3A_106 = vector.broadcast %lt3A_105 : i32 to vector<16xi32>
    %lt3A_107 = arith.cmpi slt, %sub3A_104, %lt3A_106 : vector<16xi32>
    %add3A_108 = arith.constant 100000 : i32
    %add3A_109 = vector.broadcast %add3A_108 : i32 to vector<16xi32>
    %add3A_110 = arith.addi %sub3A_104, %add3A_109 : vector<16xi32>
    %select_n3A_111 = arith.select %lt3A_107, %add3A_110, %sub3A_104 : vector<16xi1>, vector<16xi32>
    %ge3A_112 = arith.constant 100000 : i32
    %ge3A_113 = vector.broadcast %ge3A_112 : i32 to vector<16xi32>
    %ge3A_114 = arith.cmpi sge, %select_n3A_111, %ge3A_113 : vector<16xi32>
    %sub3A_115 = arith.constant 100000 : i32
    %sub3A_116 = vector.broadcast %sub3A_115 : i32 to vector<16xi32>
    %sub3A_117 = arith.subi %select_n3A_111, %sub3A_116 : vector<16xi32>
    %select_n3A_118 = arith.select %ge3A_114, %sub3A_117, %select_n3A_111 : vector<16xi1>, vector<16xi32>
    %swap3A_119 = arith.constant 48 : index
    %swap3A_120 = tpu.vector_load %arg5[%swap3A_119] {strides = array<i32>} : memref<512xi32, #tpu.memory_space<vmem>>, vector<16xi32>,
    %swap3A_121 = vector.shape_cast %swap3A_120 : vector<16xi32> to vector<16xi32>
    %swap3A_122 = vector.shape_cast %select_n3A_118 : vector<16xi32> to vector<16xi32>
    tpu.vector_store %arg5[%swap3A_119], %swap3A_122 {strides = array<i32>} : memref<512xi32, #tpu.memory_space<vmem>>, vector<16xi32>,
    %get3A_123 = arith.constant 64 : index
    %get3A_124 = tpu.vector_load %arg5[%get3A_123] {strides = array<i32>} : memref<512xi32, #tpu.memory_space<vmem>>, vector<16xi32>,
    %get3A_125 = vector.shape_cast %get3A_124 : vector<16xi32> to vector<16xi32>
    %convert_element_type3A_126 = arith.sitofp %get3A_125 : vector<16xi32> to vector<16xf32>
    %mul3A_127 = arith.constant 9.99999974E-6 : f32
    %mul3A_128 = vector.broadcast %mul3A_127 : f32 to vector<16xf32>
    %mul3A_129 = arith.mulf %convert_element_type3A_126, %mul3A_128 : vector<16xf32>
    %convert_element_type3A_130 = arith.fptosi %mul3A_129 : vector<16xf32> to vector<16xi32>
    %mul3A_131 = arith.constant 100000 : i32
    %mul3A_132 = vector.broadcast %mul3A_131 : i32 to vector<16xi32>
    %mul3A_133 = arith.muli %convert_element_type3A_130, %mul3A_132 : vector<16xi32>
    %sub3A_134 = arith.subi %get3A_125, %mul3A_133 : vector<16xi32>
    %lt3A_135 = arith.constant 0 : i32
    %lt3A_136 = vector.broadcast %lt3A_135 : i32 to vector<16xi32>
    %lt3A_137 = arith.cmpi slt, %sub3A_134, %lt3A_136 : vector<16xi32>
    %add3A_138 = arith.constant 100000 : i32
    %add3A_139 = vector.broadcast %add3A_138 : i32 to vector<16xi32>
    %add3A_140 = arith.addi %sub3A_134, %add3A_139 : vector<16xi32>
    %select_n3A_141 = arith.select %lt3A_137, %add3A_140, %sub3A_134 : vector<16xi1>, vector<16xi32>
    %ge3A_142 = arith.constant 100000 : i32
    %ge3A_143 = vector.broadcast %ge3A_142 : i32 to vector<16xi32>
    %ge3A_144 = arith.cmpi sge, %select_n3A_141, %ge3A_143 : vector<16xi32>
    %sub3A_145 = arith.constant 100000 : i32
    %sub3A_146 = vector.broadcast %sub3A_145 : i32 to vector<16xi32>
    %sub3A_147 = arith.subi %select_n3A_141, %sub3A_146 : vector<16xi32>
    %select_n3A_148 = arith.select %ge3A_144, %sub3A_147, %select_n3A_141 : vector<16xi1>, vector<16xi32>
    %swap3A_149 = arith.constant 64 : index
    %swap3A_150 = tpu.vector_load %arg5[%swap3A_149] {strides = array<i32>} : memref<512xi32, #tpu.memory_space<vmem>>, vector<16xi32>,
    %swap3A_151 = vector.shape_cast %swap3A_150 : vector<16xi32> to vector<16xi32>
    %swap3A_152 = vector.shape_cast %select_n3A_148 : vector<16xi32> to vector<16xi32>
    tpu.vector_store %arg5[%swap3A_149], %swap3A_152 {strides = array<i32>} : memref<512xi32, #tpu.memory_space<vmem>>, vector<16xi32>,
    %get3A_153 = arith.constant 80 : index
    %get3A_154 = tpu.vector_load %arg5[%get3A_153] {strides = array<i32>} : memref<512xi32, #tpu.memory_space<vmem>>, vector<16xi32>,
    %get3A_155 = vector.shape_cast %get3A_154 : vector<16xi32> to vector<16xi32>
    %convert_element_type3A_156 = arith.sitofp %get3A_155 : vector<16xi32> to vector<16xf32>
    %mul3A_157 = arith.constant 9.99999974E-6 : f32
    %mul3A_158 = vector.broadcast %mul3A_157 : f32 to vector<16xf32>
    %mul3A_159 = arith.mulf %convert_element_type3A_156, %mul3A_158 : vector<16xf32>
    %convert_element_type3A_160 = arith.fptosi %mul3A_159 : vector<16xf32> to vector<16xi32>
    %mul3A_161 = arith.constant 100000 : i32
    %mul3A_162 = vector.broadcast %mul3A_161 : i32 to vector<16xi32>
    %mul3A_163 = arith.muli %convert_element_type3A_160, %mul3A_162 : vector<16xi32>
    %sub3A_164 = arith.subi %get3A_155, %mul3A_163 : vector<16xi32>
    %lt3A_165 = arith.constant 0 : i32
    %lt3A_166 = vector.broadcast %lt3A_165 : i32 to vector<16xi32>
    %lt3A_167 = arith.cmpi slt, %sub3A_164, %lt3A_166 : vector<16xi32>
    %add3A_168 = arith.constant 100000 : i32
    %add3A_169 = vector.broadcast %add3A_168 : i32 to vector<16xi32>
    %add3A_170 = arith.addi %sub3A_164, %add3A_169 : vector<16xi32>
    %select_n3A_171 = arith.select %lt3A_167, %add3A_170, %sub3A_164 : vector<16xi1>, vector<16xi32>
    %ge3A_172 = arith.constant 100000 : i32
    %ge3A_173 = vector.broadcast %ge3A_172 : i32 to vector<16xi32>
    %ge3A_174 = arith.cmpi sge, %select_n3A_171, %ge3A_173 : vector<16xi32>
    %sub3A_175 = arith.constant 100000 : i32
    %sub3A_176 = vector.broadcast %sub3A_175 : i32 to vector<16xi32>
    %sub3A_177 = arith.subi %select_n3A_171, %sub3A_176 : vector<16xi32>
    %select_n3A_178 = arith.select %ge3A_174, %sub3A_177, %select_n3A_171 : vector<16xi1>, vector<16xi32>
    %swap3A_179 = arith.constant 80 : index
    %swap3A_180 = tpu.vector_load %arg5[%swap3A_179] {strides = array<i32>} : memref<512xi32, #tpu.memory_space<vmem>>, vector<16xi32>,
    %swap3A_181 = vector.shape_cast %swap3A_180 : vector<16xi32> to vector<16xi32>
    %swap3A_182 = vector.shape_cast %select_n3A_178 : vector<16xi32> to vector<16xi32>
    tpu.vector_store %arg5[%swap3A_179], %swap3A_182 {strides = array<i32>} : memref<512xi32, #tpu.memory_space<vmem>>, vector<16xi32>,
    %get3A_183 = arith.constant 96 : index
    %get3A_184 = tpu.vector_load %arg5[%get3A_183] {strides = array<i32>} : memref<512xi32, #tpu.memory_space<vmem>>, vector<16xi32>,
    %get3A_185 = vector.shape_cast %get3A_184 : vector<16xi32> to vector<16xi32>
    %convert_element_type3A_186 = arith.sitofp %get3A_185 : vector<16xi32> to vector<16xf32>
    %mul3A_187 = arith.constant 9.99999974E-6 : f32
    %mul3A_188 = vector.broadcast %mul3A_187 : f32 to vector<16xf32>
    %mul3A_189 = arith.mulf %convert_element_type3A_186, %mul3A_188 : vector<16xf32>
    %convert_element_type3A_190 = arith.fptosi %mul3A_189 : vector<16xf32> to vector<16xi32>
    %mul3A_191 = arith.constant 100000 : i32
    %mul3A_192 = vector.broadcast %mul3A_191 : i32 to vector<16xi32>
    %mul3A_193 = arith.muli %convert_element_type3A_190, %mul3A_192 : vector<16xi32>
    %sub3A_194 = arith.subi %get3A_185, %mul3A_193 : vector<16xi32>
    %lt3A_195 = arith.constant 0 : i32
    %lt3A_196 = vector.broadcast %lt3A_195 : i32 to vector<16xi32>
    %lt3A_197 = arith.cmpi slt, %sub3A_194, %lt3A_196 : vector<16xi32>
    %add3A_198 = arith.constant 100000 : i32
    %add3A_199 = vector.broadcast %add3A_198 : i32 to vector<16xi32>
    %add3A_200 = arith.addi %sub3A_194, %add3A_199 : vector<16xi32>
    %select_n3A_201 = arith.select %lt3A_197, %add3A_200, %sub3A_194 : vector<16xi1>, vector<16xi32>
    %ge3A_202 = arith.constant 100000 : i32
    %ge3A_203 = vector.broadcast %ge3A_202 : i32 to vector<16xi32>
    %ge3A_204 = arith.cmpi sge, %select_n3A_201, %ge3A_203 : vector<16xi32>
    %sub3A_205 = arith.constant 100000 : i32
    %sub3A_206 = vector.broadcast %sub3A_205 : i32 to vector<16xi32>
    %sub3A_207 = arith.subi %select_n3A_201, %sub3A_206 : vector<16xi32>
    %select_n3A_208 = arith.select %ge3A_204, %sub3A_207, %select_n3A_201 : vector<16xi1>, vector<16xi32>
    %swap3A_209 = arith.constant 96 : index
    %swap3A_210 = tpu.vector_load %arg5[%swap3A_209] {strides = array<i32>} : memref<512xi32, #tpu.memory_space<vmem>>, vector<16xi32>,
    %swap3A_211 = vector.shape_cast %swap3A_210 : vector<16xi32> to vector<16xi32>
    %swap3A_212 = vector.shape_cast %select_n3A_208 : vector<16xi32> to vector<16xi32>
    tpu.vector_store %arg5[%swap3A_209], %swap3A_212 {strides = array<i32>} : memref<512xi32, #tpu.memory_space<vmem>>, vector<16xi32>,
    %get3A_213 = arith.constant 112 : index
    %get3A_214 = tpu.vector_load %arg5[%get3A_213] {strides = array<i32>} : memref<512xi32, #tpu.memory_space<vmem>>, vector<16xi32>,
    %get3A_215 = vector.shape_cast %get3A_214 : vector<16xi32> to vector<16xi32>
    %convert_element_type3A_216 = arith.sitofp %get3A_215 : vector<16xi32> to vector<16xf32>
    %mul3A_217 = arith.constant 9.99999974E-6 : f32
    %mul3A_218 = vector.broadcast %mul3A_217 : f32 to vector<16xf32>
    %mul3A_219 = arith.mulf %convert_element_type3A_216, %mul3A_218 : vector<16xf32>
    %convert_element_type3A_220 = arith.fptosi %mul3A_219 : vector<16xf32> to vector<16xi32>
    %mul3A_221 = arith.constant 100000 : i32
    %mul3A_222 = vector.broadcast %mul3A_221 : i32 to vector<16xi32>
    %mul3A_223 = arith.muli %convert_element_type3A_220, %mul3A_222 : vector<16xi32>
    %sub3A_224 = arith.subi %get3A_215, %mul3A_223 : vector<16xi32>
    %lt3A_225 = arith.constant 0 : i32
    %lt3A_226 = vector.broadcast %lt3A_225 : i32 to vector<16xi32>
    %lt3A_227 = arith.cmpi slt, %sub3A_224, %lt3A_226 : vector<16xi32>
    %add3A_228 = arith.constant 100000 : i32
    %add3A_229 = vector.broadcast %add3A_228 : i32 to vector<16xi32>
    %add3A_230 = arith.addi %sub3A_224, %add3A_229 : vector<16xi32>
    %select_n3A_231 = arith.select %lt3A_227, %add3A_230, %sub3A_224 : vector<16xi1>, vector<16xi32>
    %ge3A_232 = arith.constant 100000 : i32
    %ge3A_233 = vector.broadcast %ge3A_232 : i32 to vector<16xi32>
    %ge3A_234 = arith.cmpi sge, %select_n3A_231, %ge3A_233 : vector<16xi32>
    %sub3A_235 = arith.constant 100000 : i32
    %sub3A_236 = vector.broadcast %sub3A_235 : i32 to vector<16xi32>
    %sub3A_237 = arith.subi %select_n3A_231, %sub3A_236 : vector<16xi32>
    %select_n3A_238 = arith.select %ge3A_234, %sub3A_237, %select_n3A_231 : vector<16xi1>, vector<16xi32>
    %swap3A_239 = arith.constant 112 : index
    %swap3A_240 = tpu.vector_load %arg5[%swap3A_239] {strides = array<i32>} : memref<512xi32, #tpu.memory_space<vmem>>, vector<16xi32>,
    %swap3A_241 = vector.shape_cast %swap3A_240 : vector<16xi32> to vector<16xi32>
    %swap3A_242 = vector.shape_cast %select_n3A_238 : vector<16xi32> to vector<16xi32>
    tpu.vector_store %arg5[%swap3A_239], %swap3A_242 {strides = array<i32>} : memref<512xi32, #tpu.memory_space<vmem>>, vector<16xi32>,
    %dma_start3A_243 = arith.constant 0 : i32
    %dma_start3A_244 = arith.constant 0 : i32
    %dma_start3A_245 = tpu.memref_slice %arg6[%dma_start3A_243, %dma_start3A_244] : memref<512x128xf32, #tpu.memory_space<vmem>> -> memref<128x128xf32, #tpu.memory_space<vmem>>
    %dma_start3A_246 = arith.constant 0 : i32
    %dma_start3A_247 = tpu.memref_slice %arg5[%dma_start3A_246] : memref<512xi32, #tpu.memory_space<vmem>> -> memref<128xi32, #tpu.memory_space<vmem>>
    %dma_start3A_248 = arith.constant 0 : i32
    %dma_start3A_249 = arith.constant 0 : i32
    %dma_start3A_250 = tpu.memref_slice %arg3[%dma_start3A_248, %dma_start3A_249] : memref<100000x128xf32, #tpu.memory_space<hbm>> -> memref<100000x128xf32, #tpu.memory_space<hbm>>
    tpu.enqueue_indirect_dma source(%dma_start3A_250 : memref<100000x128xf32, #tpu.memory_space<hbm>>) target(%dma_start3A_245 : memref<128x128xf32, #tpu.memory_space<vmem>>) offsets(%dma_start3A_247 : memref<128xi32, #tpu.memory_space<vmem>>) semaphore(%arg7 : memref<!tpu.dma_semaphore, #tpu.memory_space<semaphore_mem>>)
    %dma_wait3A = arith.constant 128 : i32
    %dma_wait3A_251 = tpu.memref_slice %arg5[%dma_wait3A] : memref<512xi32, #tpu.memory_space<vmem>> -> memref<384xi32, #tpu.memory_space<vmem>>
    %dma_wait3A_252 = tpu.memref_slice %arg2[%add3A_4] : memref<16384xi32, #tpu.memory_space<hbm>> -> memref<384xi32, #tpu.memory_space<hbm>>
    %dma_wait3A_253 = arith.constant 128 : i32
    %dma_wait3A_254 = tpu.memref_slice %arg5[%dma_wait3A_253] : memref<512xi32, #tpu.memory_space<vmem>> -> memref<384xi32, #tpu.memory_space<vmem>>
    %dma_wait3A_255 = tpu.memref_slice %arg2[%add3A_4] : memref<16384xi32, #tpu.memory_space<hbm>> -> memref<384xi32, #tpu.memory_space<hbm>>
    tpu.wait_dma2 semaphore(%arg9 : memref<!tpu.dma_semaphore, #tpu.memory_space<semaphore_mem>>) src(%dma_wait3A_255 : memref<384xi32, #tpu.memory_space<hbm>>) dst(%dma_wait3A_254 : memref<384xi32, #tpu.memory_space<vmem>>)
    %get3A_256 = arith.constant 128 : index
    %get3A_257 = tpu.vector_load %arg5[%get3A_256] {strides = array<i32>} : memref<512xi32, #tpu.memory_space<vmem>>, vector<16xi32>,
    %get3A_258 = vector.shape_cast %get3A_257 : vector<16xi32> to vector<16xi32>
    %convert_element_type3A_259 = arith.sitofp %get3A_258 : vector<16xi32> to vector<16xf32>
    %mul3A_260 = arith.constant 9.99999974E-6 : f32
    %mul3A_261 = vector.broadcast %mul3A_260 : f32 to vector<16xf32>
    %mul3A_262 = arith.mulf %convert_element_type3A_259, %mul3A_261 : vector<16xf32>
    %convert_element_type3A_263 = arith.fptosi %mul3A_262 : vector<16xf32> to vector<16xi32>
    %mul3A_264 = arith.constant 100000 : i32
    %mul3A_265 = vector.broadcast %mul3A_264 : i32 to vector<16xi32>
    %mul3A_266 = arith.muli %convert_element_type3A_263, %mul3A_265 : vector<16xi32>
    %sub3A_267 = arith.subi %get3A_258, %mul3A_266 : vector<16xi32>
    %lt3A_268 = arith.constant 0 : i32
    %lt3A_269 = vector.broadcast %lt3A_268 : i32 to vector<16xi32>
    %lt3A_270 = arith.cmpi slt, %sub3A_267, %lt3A_269 : vector<16xi32>
    %add3A_271 = arith.constant 100000 : i32
    %add3A_272 = vector.broadcast %add3A_271 : i32 to vector<16xi32>
    %add3A_273 = arith.addi %sub3A_267, %add3A_272 : vector<16xi32>
    %select_n3A_274 = arith.select %lt3A_270, %add3A_273, %sub3A_267 : vector<16xi1>, vector<16xi32>
    %ge3A_275 = arith.constant 100000 : i32
    %ge3A_276 = vector.broadcast %ge3A_275 : i32 to vector<16xi32>
    %ge3A_277 = arith.cmpi sge, %select_n3A_274, %ge3A_276 : vector<16xi32>
    %sub3A_278 = arith.constant 100000 : i32
    %sub3A_279 = vector.broadcast %sub3A_278 : i32 to vector<16xi32>
    %sub3A_280 = arith.subi %select_n3A_274, %sub3A_279 : vector<16xi32>
    %select_n3A_281 = arith.select %ge3A_277, %sub3A_280, %select_n3A_274 : vector<16xi1>, vector<16xi32>
    %swap3A_282 = arith.constant 128 : index
    %swap3A_283 = tpu.vector_load %arg5[%swap3A_282] {strides = array<i32>} : memref<512xi32, #tpu.memory_space<vmem>>, vector<16xi32>,
    %swap3A_284 = vector.shape_cast %swap3A_283 : vector<16xi32> to vector<16xi32>
    %swap3A_285 = vector.shape_cast %select_n3A_281 : vector<16xi32> to vector<16xi32>
    tpu.vector_store %arg5[%swap3A_282], %swap3A_285 {strides = array<i32>} : memref<512xi32, #tpu.memory_space<vmem>>, vector<16xi32>,
    %get3A_286 = arith.constant 144 : index
    %get3A_287 = tpu.vector_load %arg5[%get3A_286] {strides = array<i32>} : memref<512xi32, #tpu.memory_space<vmem>>, vector<16xi32>,
    %get3A_288 = vector.shape_cast %get3A_287 : vector<16xi32> to vector<16xi32>
    %convert_element_type3A_289 = arith.sitofp %get3A_288 : vector<16xi32> to vector<16xf32>
    %mul3A_290 = arith.constant 9.99999974E-6 : f32
    %mul3A_291 = vector.broadcast %mul3A_290 : f32 to vector<16xf32>
    %mul3A_292 = arith.mulf %convert_element_type3A_289, %mul3A_291 : vector<16xf32>
    %convert_element_type3A_293 = arith.fptosi %mul3A_292 : vector<16xf32> to vector<16xi32>
    %mul3A_294 = arith.constant 100000 : i32
    %mul3A_295 = vector.broadcast %mul3A_294 : i32 to vector<16xi32>
    %mul3A_296 = arith.muli %convert_element_type3A_293, %mul3A_295 : vector<16xi32>
    %sub3A_297 = arith.subi %get3A_288, %mul3A_296 : vector<16xi32>
    %lt3A_298 = arith.constant 0 : i32
    %lt3A_299 = vector.broadcast %lt3A_298 : i32 to vector<16xi32>
    %lt3A_300 = arith.cmpi slt, %sub3A_297, %lt3A_299 : vector<16xi32>
    %add3A_301 = arith.constant 100000 : i32
    %add3A_302 = vector.broadcast %add3A_301 : i32 to vector<16xi32>
    %add3A_303 = arith.addi %sub3A_297, %add3A_302 : vector<16xi32>
    %select_n3A_304 = arith.select %lt3A_300, %add3A_303, %sub3A_297 : vector<16xi1>, vector<16xi32>
    %ge3A_305 = arith.constant 100000 : i32
    %ge3A_306 = vector.broadcast %ge3A_305 : i32 to vector<16xi32>
    %ge3A_307 = arith.cmpi sge, %select_n3A_304, %ge3A_306 : vector<16xi32>
    %sub3A_308 = arith.constant 100000 : i32
    %sub3A_309 = vector.broadcast %sub3A_308 : i32 to vector<16xi32>
    %sub3A_310 = arith.subi %select_n3A_304, %sub3A_309 : vector<16xi32>
    %select_n3A_311 = arith.select %ge3A_307, %sub3A_310, %select_n3A_304 : vector<16xi1>, vector<16xi32>
    %swap3A_312 = arith.constant 144 : index
    %swap3A_313 = tpu.vector_load %arg5[%swap3A_312] {strides = array<i32>} : memref<512xi32, #tpu.memory_space<vmem>>, vector<16xi32>,
    %swap3A_314 = vector.shape_cast %swap3A_313 : vector<16xi32> to vector<16xi32>
    %swap3A_315 = vector.shape_cast %select_n3A_311 : vector<16xi32> to vector<16xi32>
    tpu.vector_store %arg5[%swap3A_312], %swap3A_315 {strides = array<i32>} : memref<512xi32, #tpu.memory_space<vmem>>, vector<16xi32>,
    %get3A_316 = arith.constant 160 : index
    %get3A_317 = tpu.vector_load %arg5[%get3A_316] {strides = array<i32>} : memref<512xi32, #tpu.memory_space<vmem>>, vector<16xi32>,
    %get3A_318 = vector.shape_cast %get3A_317 : vector<16xi32> to vector<16xi32>
    %convert_element_type3A_319 = arith.sitofp %get3A_318 : vector<16xi32> to vector<16xf32>
    %mul3A_320 = arith.constant 9.99999974E-6 : f32
    %mul3A_321 = vector.broadcast %mul3A_320 : f32 to vector<16xf32>
    %mul3A_322 = arith.mulf %convert_element_type3A_319, %mul3A_321 : vector<16xf32>
    %convert_element_type3A_323 = arith.fptosi %mul3A_322 : vector<16xf32> to vector<16xi32>
    %mul3A_324 = arith.constant 100000 : i32
    %mul3A_325 = vector.broadcast %mul3A_324 : i32 to vector<16xi32>
    %mul3A_326 = arith.muli %convert_element_type3A_323, %mul3A_325 : vector<16xi32>
    %sub3A_327 = arith.subi %get3A_318, %mul3A_326 : vector<16xi32>
    %lt3A_328 = arith.constant 0 : i32
    %lt3A_329 = vector.broadcast %lt3A_328 : i32 to vector<16xi32>
    %lt3A_330 = arith.cmpi slt, %sub3A_327, %lt3A_329 : vector<16xi32>
    %add3A_331 = arith.constant 100000 : i32
    %add3A_332 = vector.broadcast %add3A_331 : i32 to vector<16xi32>
    %add3A_333 = arith.addi %sub3A_327, %add3A_332 : vector<16xi32>
    %select_n3A_334 = arith.select %lt3A_330, %add3A_333, %sub3A_327 : vector<16xi1>, vector<16xi32>
    %ge3A_335 = arith.constant 100000 : i32
    %ge3A_336 = vector.broadcast %ge3A_335 : i32 to vector<16xi32>
    %ge3A_337 = arith.cmpi sge, %select_n3A_334, %ge3A_336 : vector<16xi32>
    %sub3A_338 = arith.constant 100000 : i32
    %sub3A_339 = vector.broadcast %sub3A_338 : i32 to vector<16xi32>
    %sub3A_340 = arith.subi %select_n3A_334, %sub3A_339 : vector<16xi32>
    %select_n3A_341 = arith.select %ge3A_337, %sub3A_340, %select_n3A_334 : vector<16xi1>, vector<16xi32>
    %swap3A_342 = arith.constant 160 : index
    %swap3A_343 = tpu.vector_load %arg5[%swap3A_342] {strides = array<i32>} : memref<512xi32, #tpu.memory_space<vmem>>, vector<16xi32>,
    %swap3A_344 = vector.shape_cast %swap3A_343 : vector<16xi32> to vector<16xi32>
    %swap3A_345 = vector.shape_cast %select_n3A_341 : vector<16xi32> to vector<16xi32>
    tpu.vector_store %arg5[%swap3A_342], %swap3A_345 {strides = array<i32>} : memref<512xi32, #tpu.memory_space<vmem>>, vector<16xi32>,
    %get3A_346 = arith.constant 176 : index
    %get3A_347 = tpu.vector_load %arg5[%get3A_346] {strides = array<i32>} : memref<512xi32, #tpu.memory_space<vmem>>, vector<16xi32>,
    %get3A_348 = vector.shape_cast %get3A_347 : vector<16xi32> to vector<16xi32>
    %convert_element_type3A_349 = arith.sitofp %get3A_348 : vector<16xi32> to vector<16xf32>
    %mul3A_350 = arith.constant 9.99999974E-6 : f32
    %mul3A_351 = vector.broadcast %mul3A_350 : f32 to vector<16xf32>
    %mul3A_352 = arith.mulf %convert_element_type3A_349, %mul3A_351 : vector<16xf32>
    %convert_element_type3A_353 = arith.fptosi %mul3A_352 : vector<16xf32> to vector<16xi32>
    %mul3A_354 = arith.constant 100000 : i32
    %mul3A_355 = vector.broadcast %mul3A_354 : i32 to vector<16xi32>
    %mul3A_356 = arith.muli %convert_element_type3A_353, %mul3A_355 : vector<16xi32>
    %sub3A_357 = arith.subi %get3A_348, %mul3A_356 : vector<16xi32>
    %lt3A_358 = arith.constant 0 : i32
    %lt3A_359 = vector.broadcast %lt3A_358 : i32 to vector<16xi32>
    %lt3A_360 = arith.cmpi slt, %sub3A_357, %lt3A_359 : vector<16xi32>
    %add3A_361 = arith.constant 100000 : i32
    %add3A_362 = vector.broadcast %add3A_361 : i32 to vector<16xi32>
    %add3A_363 = arith.addi %sub3A_357, %add3A_362 : vector<16xi32>
    %select_n3A_364 = arith.select %lt3A_360, %add3A_363, %sub3A_357 : vector<16xi1>, vector<16xi32>
    %ge3A_365 = arith.constant 100000 : i32
    %ge3A_366 = vector.broadcast %ge3A_365 : i32 to vector<16xi32>
    %ge3A_367 = arith.cmpi sge, %select_n3A_364, %ge3A_366 : vector<16xi32>
    %sub3A_368 = arith.constant 100000 : i32
    %sub3A_369 = vector.broadcast %sub3A_368 : i32 to vector<16xi32>
    %sub3A_370 = arith.subi %select_n3A_364, %sub3A_369 : vector<16xi32>
    %select_n3A_371 = arith.select %ge3A_367, %sub3A_370, %select_n3A_364 : vector<16xi1>, vector<16xi32>
    %swap3A_372 = arith.constant 176 : index
    %swap3A_373 = tpu.vector_load %arg5[%swap3A_372] {strides = array<i32>} : memref<512xi32, #tpu.memory_space<vmem>>, vector<16xi32>,
    %swap3A_374 = vector.shape_cast %swap3A_373 : vector<16xi32> to vector<16xi32>
    %swap3A_375 = vector.shape_cast %select_n3A_371 : vector<16xi32> to vector<16xi32>
    tpu.vector_store %arg5[%swap3A_372], %swap3A_375 {strides = array<i32>} : memref<512xi32, #tpu.memory_space<vmem>>, vector<16xi32>,
    %get3A_376 = arith.constant 192 : index
    %get3A_377 = tpu.vector_load %arg5[%get3A_376] {strides = array<i32>} : memref<512xi32, #tpu.memory_space<vmem>>, vector<16xi32>,
    %get3A_378 = vector.shape_cast %get3A_377 : vector<16xi32> to vector<16xi32>
    %convert_element_type3A_379 = arith.sitofp %get3A_378 : vector<16xi32> to vector<16xf32>
    %mul3A_380 = arith.constant 9.99999974E-6 : f32
    %mul3A_381 = vector.broadcast %mul3A_380 : f32 to vector<16xf32>
    %mul3A_382 = arith.mulf %convert_element_type3A_379, %mul3A_381 : vector<16xf32>
    %convert_element_type3A_383 = arith.fptosi %mul3A_382 : vector<16xf32> to vector<16xi32>
    %mul3A_384 = arith.constant 100000 : i32
    %mul3A_385 = vector.broadcast %mul3A_384 : i32 to vector<16xi32>
    %mul3A_386 = arith.muli %convert_element_type3A_383, %mul3A_385 : vector<16xi32>
    %sub3A_387 = arith.subi %get3A_378, %mul3A_386 : vector<16xi32>
    %lt3A_388 = arith.constant 0 : i32
    %lt3A_389 = vector.broadcast %lt3A_388 : i32 to vector<16xi32>
    %lt3A_390 = arith.cmpi slt, %sub3A_387, %lt3A_389 : vector<16xi32>
    %add3A_391 = arith.constant 100000 : i32
    %add3A_392 = vector.broadcast %add3A_391 : i32 to vector<16xi32>
    %add3A_393 = arith.addi %sub3A_387, %add3A_392 : vector<16xi32>
    %select_n3A_394 = arith.select %lt3A_390, %add3A_393, %sub3A_387 : vector<16xi1>, vector<16xi32>
    %ge3A_395 = arith.constant 100000 : i32
    %ge3A_396 = vector.broadcast %ge3A_395 : i32 to vector<16xi32>
    %ge3A_397 = arith.cmpi sge, %select_n3A_394, %ge3A_396 : vector<16xi32>
    %sub3A_398 = arith.constant 100000 : i32
    %sub3A_399 = vector.broadcast %sub3A_398 : i32 to vector<16xi32>
    %sub3A_400 = arith.subi %select_n3A_394, %sub3A_399 : vector<16xi32>
    %select_n3A_401 = arith.select %ge3A_397, %sub3A_400, %select_n3A_394 : vector<16xi1>, vector<16xi32>
    %swap3A_402 = arith.constant 192 : index
    %swap3A_403 = tpu.vector_load %arg5[%swap3A_402] {strides = array<i32>} : memref<512xi32, #tpu.memory_space<vmem>>, vector<16xi32>,
    %swap3A_404 = vector.shape_cast %swap3A_403 : vector<16xi32> to vector<16xi32>
    %swap3A_405 = vector.shape_cast %select_n3A_401 : vector<16xi32> to vector<16xi32>
    tpu.vector_store %arg5[%swap3A_402], %swap3A_405 {strides = array<i32>} : memref<512xi32, #tpu.memory_space<vmem>>, vector<16xi32>,
    %get3A_406 = arith.constant 208 : index
    %get3A_407 = tpu.vector_load %arg5[%get3A_406] {strides = array<i32>} : memref<512xi32, #tpu.memory_space<vmem>>, vector<16xi32>,
    %get3A_408 = vector.shape_cast %get3A_407 : vector<16xi32> to vector<16xi32>
    %convert_element_type3A_409 = arith.sitofp %get3A_408 : vector<16xi32> to vector<16xf32>
    %mul3A_410 = arith.constant 9.99999974E-6 : f32
    %mul3A_411 = vector.broadcast %mul3A_410 : f32 to vector<16xf32>
    %mul3A_412 = arith.mulf %convert_element_type3A_409, %mul3A_411 : vector<16xf32>
    %convert_element_type3A_413 = arith.fptosi %mul3A_412 : vector<16xf32> to vector<16xi32>
    %mul3A_414 = arith.constant 100000 : i32
    %mul3A_415 = vector.broadcast %mul3A_414 : i32 to vector<16xi32>
    %mul3A_416 = arith.muli %convert_element_type3A_413, %mul3A_415 : vector<16xi32>
    %sub3A_417 = arith.subi %get3A_408, %mul3A_416 : vector<16xi32>
    %lt3A_418 = arith.constant 0 : i32
    %lt3A_419 = vector.broadcast %lt3A_418 : i32 to vector<16xi32>
    %lt3A_420 = arith.cmpi slt, %sub3A_417, %lt3A_419 : vector<16xi32>
    %add3A_421 = arith.constant 100000 : i32
    %add3A_422 = vector.broadcast %add3A_421 : i32 to vector<16xi32>
    %add3A_423 = arith.addi %sub3A_417, %add3A_422 : vector<16xi32>
    %select_n3A_424 = arith.select %lt3A_420, %add3A_423, %sub3A_417 : vector<16xi1>, vector<16xi32>
    %ge3A_425 = arith.constant 100000 : i32
    %ge3A_426 = vector.broadcast %ge3A_425 : i32 to vector<16xi32>
    %ge3A_427 = arith.cmpi sge, %select_n3A_424, %ge3A_426 : vector<16xi32>
    %sub3A_428 = arith.constant 100000 : i32
    %sub3A_429 = vector.broadcast %sub3A_428 : i32 to vector<16xi32>
    %sub3A_430 = arith.subi %select_n3A_424, %sub3A_429 : vector<16xi32>
    %select_n3A_431 = arith.select %ge3A_427, %sub3A_430, %select_n3A_424 : vector<16xi1>, vector<16xi32>
    %swap3A_432 = arith.constant 208 : index
    %swap3A_433 = tpu.vector_load %arg5[%swap3A_432] {strides = array<i32>} : memref<512xi32, #tpu.memory_space<vmem>>, vector<16xi32>,
    %swap3A_434 = vector.shape_cast %swap3A_433 : vector<16xi32> to vector<16xi32>
    %swap3A_435 = vector.shape_cast %select_n3A_431 : vector<16xi32> to vector<16xi32>
    tpu.vector_store %arg5[%swap3A_432], %swap3A_435 {strides = array<i32>} : memref<512xi32, #tpu.memory_space<vmem>>, vector<16xi32>,
    %get3A_436 = arith.constant 224 : index
    %get3A_437 = tpu.vector_load %arg5[%get3A_436] {strides = array<i32>} : memref<512xi32, #tpu.memory_space<vmem>>, vector<16xi32>,
    %get3A_438 = vector.shape_cast %get3A_437 : vector<16xi32> to vector<16xi32>
    %convert_element_type3A_439 = arith.sitofp %get3A_438 : vector<16xi32> to vector<16xf32>
    %mul3A_440 = arith.constant 9.99999974E-6 : f32
    %mul3A_441 = vector.broadcast %mul3A_440 : f32 to vector<16xf32>
    %mul3A_442 = arith.mulf %convert_element_type3A_439, %mul3A_441 : vector<16xf32>
    %convert_element_type3A_443 = arith.fptosi %mul3A_442 : vector<16xf32> to vector<16xi32>
    %mul3A_444 = arith.constant 100000 : i32
    %mul3A_445 = vector.broadcast %mul3A_444 : i32 to vector<16xi32>
    %mul3A_446 = arith.muli %convert_element_type3A_443, %mul3A_445 : vector<16xi32>
    %sub3A_447 = arith.subi %get3A_438, %mul3A_446 : vector<16xi32>
    %lt3A_448 = arith.constant 0 : i32
    %lt3A_449 = vector.broadcast %lt3A_448 : i32 to vector<16xi32>
    %lt3A_450 = arith.cmpi slt, %sub3A_447, %lt3A_449 : vector<16xi32>
    %add3A_451 = arith.constant 100000 : i32
    %add3A_452 = vector.broadcast %add3A_451 : i32 to vector<16xi32>
    %add3A_453 = arith.addi %sub3A_447, %add3A_452 : vector<16xi32>
    %select_n3A_454 = arith.select %lt3A_450, %add3A_453, %sub3A_447 : vector<16xi1>, vector<16xi32>
    %ge3A_455 = arith.constant 100000 : i32
    %ge3A_456 = vector.broadcast %ge3A_455 : i32 to vector<16xi32>
    %ge3A_457 = arith.cmpi sge, %select_n3A_454, %ge3A_456 : vector<16xi32>
    %sub3A_458 = arith.constant 100000 : i32
    %sub3A_459 = vector.broadcast %sub3A_458 : i32 to vector<16xi32>
    %sub3A_460 = arith.subi %select_n3A_454, %sub3A_459 : vector<16xi32>
    %select_n3A_461 = arith.select %ge3A_457, %sub3A_460, %select_n3A_454 : vector<16xi1>, vector<16xi32>
    %swap3A_462 = arith.constant 224 : index
    %swap3A_463 = tpu.vector_load %arg5[%swap3A_462] {strides = array<i32>} : memref<512xi32, #tpu.memory_space<vmem>>, vector<16xi32>,
    %swap3A_464 = vector.shape_cast %swap3A_463 : vector<16xi32> to vector<16xi32>
    %swap3A_465 = vector.shape_cast %select_n3A_461 : vector<16xi32> to vector<16xi32>
    tpu.vector_store %arg5[%swap3A_462], %swap3A_465 {strides = array<i32>} : memref<512xi32, #tpu.memory_space<vmem>>, vector<16xi32>,
    %get3A_466 = arith.constant 240 : index
    %get3A_467 = tpu.vector_load %arg5[%get3A_466] {strides = array<i32>} : memref<512xi32, #tpu.memory_space<vmem>>, vector<16xi32>,
    %get3A_468 = vector.shape_cast %get3A_467 : vector<16xi32> to vector<16xi32>
    %convert_element_type3A_469 = arith.sitofp %get3A_468 : vector<16xi32> to vector<16xf32>
    %mul3A_470 = arith.constant 9.99999974E-6 : f32
    %mul3A_471 = vector.broadcast %mul3A_470 : f32 to vector<16xf32>
    %mul3A_472 = arith.mulf %convert_element_type3A_469, %mul3A_471 : vector<16xf32>
    %convert_element_type3A_473 = arith.fptosi %mul3A_472 : vector<16xf32> to vector<16xi32>
    %mul3A_474 = arith.constant 100000 : i32
    %mul3A_475 = vector.broadcast %mul3A_474 : i32 to vector<16xi32>
    %mul3A_476 = arith.muli %convert_element_type3A_473, %mul3A_475 : vector<16xi32>
    %sub3A_477 = arith.subi %get3A_468, %mul3A_476 : vector<16xi32>
    %lt3A_478 = arith.constant 0 : i32
    %lt3A_479 = vector.broadcast %lt3A_478 : i32 to vector<16xi32>
    %lt3A_480 = arith.cmpi slt, %sub3A_477, %lt3A_479 : vector<16xi32>
    %add3A_481 = arith.constant 100000 : i32
    %add3A_482 = vector.broadcast %add3A_481 : i32 to vector<16xi32>
    %add3A_483 = arith.addi %sub3A_477, %add3A_482 : vector<16xi32>
    %select_n3A_484 = arith.select %lt3A_480, %add3A_483, %sub3A_477 : vector<16xi1>, vector<16xi32>
    %ge3A_485 = arith.constant 100000 : i32
    %ge3A_486 = vector.broadcast %ge3A_485 : i32 to vector<16xi32>
    %ge3A_487 = arith.cmpi sge, %select_n3A_484, %ge3A_486 : vector<16xi32>
    %sub3A_488 = arith.constant 100000 : i32
    %sub3A_489 = vector.broadcast %sub3A_488 : i32 to vector<16xi32>
    %sub3A_490 = arith.subi %select_n3A_484, %sub3A_489 : vector<16xi32>
    %select_n3A_491 = arith.select %ge3A_487, %sub3A_490, %select_n3A_484 : vector<16xi1>, vector<16xi32>
    %swap3A_492 = arith.constant 240 : index
    %swap3A_493 = tpu.vector_load %arg5[%swap3A_492] {strides = array<i32>} : memref<512xi32, #tpu.memory_space<vmem>>, vector<16xi32>,
    %swap3A_494 = vector.shape_cast %swap3A_493 : vector<16xi32> to vector<16xi32>
    %swap3A_495 = vector.shape_cast %select_n3A_491 : vector<16xi32> to vector<16xi32>
    tpu.vector_store %arg5[%swap3A_492], %swap3A_495 {strides = array<i32>} : memref<512xi32, #tpu.memory_space<vmem>>, vector<16xi32>,
    %dma_start3A_496 = arith.constant 128 : i32
    %dma_start3A_497 = arith.constant 0 : i32
    %dma_start3A_498 = tpu.memref_slice %arg6[%dma_start3A_496, %dma_start3A_497] : memref<512x128xf32, #tpu.memory_space<vmem>> -> memref<128x128xf32, #tpu.memory_space<vmem>>
    %dma_start3A_499 = arith.constant 128 : i32
    %dma_start3A_500 = tpu.memref_slice %arg5[%dma_start3A_499] : memref<512xi32, #tpu.memory_space<vmem>> -> memref<128xi32, #tpu.memory_space<vmem>>
    %dma_start3A_501 = arith.constant 0 : i32
    %dma_start3A_502 = arith.constant 0 : i32
    %dma_start3A_503 = tpu.memref_slice %arg3[%dma_start3A_501, %dma_start3A_502] : memref<100000x128xf32, #tpu.memory_space<hbm>> -> memref<100000x128xf32, #tpu.memory_space<hbm>>
    tpu.enqueue_indirect_dma source(%dma_start3A_503 : memref<100000x128xf32, #tpu.memory_space<hbm>>) target(%dma_start3A_498 : memref<128x128xf32, #tpu.memory_space<vmem>>) offsets(%dma_start3A_500 : memref<128xi32, #tpu.memory_space<vmem>>) semaphore(%arg7 : memref<!tpu.dma_semaphore, #tpu.memory_space<semaphore_mem>>)
    %get3A_504 = arith.constant 256 : index
    %get3A_505 = tpu.vector_load %arg5[%get3A_504] {strides = array<i32>} : memref<512xi32, #tpu.memory_space<vmem>>, vector<16xi32>,
    %get3A_506 = vector.shape_cast %get3A_505 : vector<16xi32> to vector<16xi32>
    %convert_element_type3A_507 = arith.sitofp %get3A_506 : vector<16xi32> to vector<16xf32>
    %mul3A_508 = arith.constant 9.99999974E-6 : f32
    %mul3A_509 = vector.broadcast %mul3A_508 : f32 to vector<16xf32>
    %mul3A_510 = arith.mulf %convert_element_type3A_507, %mul3A_509 : vector<16xf32>
    %convert_element_type3A_511 = arith.fptosi %mul3A_510 : vector<16xf32> to vector<16xi32>
    %mul3A_512 = arith.constant 100000 : i32
    %mul3A_513 = vector.broadcast %mul3A_512 : i32 to vector<16xi32>
    %mul3A_514 = arith.muli %convert_element_type3A_511, %mul3A_513 : vector<16xi32>
    %sub3A_515 = arith.subi %get3A_506, %mul3A_514 : vector<16xi32>
    %lt3A_516 = arith.constant 0 : i32
    %lt3A_517 = vector.broadcast %lt3A_516 : i32 to vector<16xi32>
    %lt3A_518 = arith.cmpi slt, %sub3A_515, %lt3A_517 : vector<16xi32>
    %add3A_519 = arith.constant 100000 : i32
    %add3A_520 = vector.broadcast %add3A_519 : i32 to vector<16xi32>
    %add3A_521 = arith.addi %sub3A_515, %add3A_520 : vector<16xi32>
    %select_n3A_522 = arith.select %lt3A_518, %add3A_521, %sub3A_515 : vector<16xi1>, vector<16xi32>
    %ge3A_523 = arith.constant 100000 : i32
    %ge3A_524 = vector.broadcast %ge3A_523 : i32 to vector<16xi32>
    %ge3A_525 = arith.cmpi sge, %select_n3A_522, %ge3A_524 : vector<16xi32>
    %sub3A_526 = arith.constant 100000 : i32
    %sub3A_527 = vector.broadcast %sub3A_526 : i32 to vector<16xi32>
    %sub3A_528 = arith.subi %select_n3A_522, %sub3A_527 : vector<16xi32>
    %select_n3A_529 = arith.select %ge3A_525, %sub3A_528, %select_n3A_522 : vector<16xi1>, vector<16xi32>
    %swap3A_530 = arith.constant 256 : index
    %swap3A_531 = tpu.vector_load %arg5[%swap3A_530] {strides = array<i32>} : memref<512xi32, #tpu.memory_space<vmem>>, vector<16xi32>,
    %swap3A_532 = vector.shape_cast %swap3A_531 : vector<16xi32> to vector<16xi32>
    %swap3A_533 = vector.shape_cast %select_n3A_529 : vector<16xi32> to vector<16xi32>
    tpu.vector_store %arg5[%swap3A_530], %swap3A_533 {strides = array<i32>} : memref<512xi32, #tpu.memory_space<vmem>>, vector<16xi32>,
    %get3A_534 = arith.constant 272 : index
    %get3A_535 = tpu.vector_load %arg5[%get3A_534] {strides = array<i32>} : memref<512xi32, #tpu.memory_space<vmem>>, vector<16xi32>,
    %get3A_536 = vector.shape_cast %get3A_535 : vector<16xi32> to vector<16xi32>
    %convert_element_type3A_537 = arith.sitofp %get3A_536 : vector<16xi32> to vector<16xf32>
    %mul3A_538 = arith.constant 9.99999974E-6 : f32
    %mul3A_539 = vector.broadcast %mul3A_538 : f32 to vector<16xf32>
    %mul3A_540 = arith.mulf %convert_element_type3A_537, %mul3A_539 : vector<16xf32>
    %convert_element_type3A_541 = arith.fptosi %mul3A_540 : vector<16xf32> to vector<16xi32>
    %mul3A_542 = arith.constant 100000 : i32
    %mul3A_543 = vector.broadcast %mul3A_542 : i32 to vector<16xi32>
    %mul3A_544 = arith.muli %convert_element_type3A_541, %mul3A_543 : vector<16xi32>
    %sub3A_545 = arith.subi %get3A_536, %mul3A_544 : vector<16xi32>
    %lt3A_546 = arith.constant 0 : i32
    %lt3A_547 = vector.broadcast %lt3A_546 : i32 to vector<16xi32>
    %lt3A_548 = arith.cmpi slt, %sub3A_545, %lt3A_547 : vector<16xi32>
    %add3A_549 = arith.constant 100000 : i32
    %add3A_550 = vector.broadcast %add3A_549 : i32 to vector<16xi32>
    %add3A_551 = arith.addi %sub3A_545, %add3A_550 : vector<16xi32>
    %select_n3A_552 = arith.select %lt3A_548, %add3A_551, %sub3A_545 : vector<16xi1>, vector<16xi32>
    %ge3A_553 = arith.constant 100000 : i32
    %ge3A_554 = vector.broadcast %ge3A_553 : i32 to vector<16xi32>
    %ge3A_555 = arith.cmpi sge, %select_n3A_552, %ge3A_554 : vector<16xi32>
    %sub3A_556 = arith.constant 100000 : i32
    %sub3A_557 = vector.broadcast %sub3A_556 : i32 to vector<16xi32>
    %sub3A_558 = arith.subi %select_n3A_552, %sub3A_557 : vector<16xi32>
    %select_n3A_559 = arith.select %ge3A_555, %sub3A_558, %select_n3A_552 : vector<16xi1>, vector<16xi32>
    %swap3A_560 = arith.constant 272 : index
    %swap3A_561 = tpu.vector_load %arg5[%swap3A_560] {strides = array<i32>} : memref<512xi32, #tpu.memory_space<vmem>>, vector<16xi32>,
    %swap3A_562 = vector.shape_cast %swap3A_561 : vector<16xi32> to vector<16xi32>
    %swap3A_563 = vector.shape_cast %select_n3A_559 : vector<16xi32> to vector<16xi32>
    tpu.vector_store %arg5[%swap3A_560], %swap3A_563 {strides = array<i32>} : memref<512xi32, #tpu.memory_space<vmem>>, vector<16xi32>,
    %get3A_564 = arith.constant 288 : index
    %get3A_565 = tpu.vector_load %arg5[%get3A_564] {strides = array<i32>} : memref<512xi32, #tpu.memory_space<vmem>>, vector<16xi32>,
    %get3A_566 = vector.shape_cast %get3A_565 : vector<16xi32> to vector<16xi32>
    %convert_element_type3A_567 = arith.sitofp %get3A_566 : vector<16xi32> to vector<16xf32>
    %mul3A_568 = arith.constant 9.99999974E-6 : f32
    %mul3A_569 = vector.broadcast %mul3A_568 : f32 to vector<16xf32>
    %mul3A_570 = arith.mulf %convert_element_type3A_567, %mul3A_569 : vector<16xf32>
    %convert_element_type3A_571 = arith.fptosi %mul3A_570 : vector<16xf32> to vector<16xi32>
    %mul3A_572 = arith.constant 100000 : i32
    %mul3A_573 = vector.broadcast %mul3A_572 : i32 to vector<16xi32>
    %mul3A_574 = arith.muli %convert_element_type3A_571, %mul3A_573 : vector<16xi32>
    %sub3A_575 = arith.subi %get3A_566, %mul3A_574 : vector<16xi32>
    %lt3A_576 = arith.constant 0 : i32
    %lt3A_577 = vector.broadcast %lt3A_576 : i32 to vector<16xi32>
    %lt3A_578 = arith.cmpi slt, %sub3A_575, %lt3A_577 : vector<16xi32>
    %add3A_579 = arith.constant 100000 : i32
    %add3A_580 = vector.broadcast %add3A_579 : i32 to vector<16xi32>
    %add3A_581 = arith.addi %sub3A_575, %add3A_580 : vector<16xi32>
    %select_n3A_582 = arith.select %lt3A_578, %add3A_581, %sub3A_575 : vector<16xi1>, vector<16xi32>
    %ge3A_583 = arith.constant 100000 : i32
    %ge3A_584 = vector.broadcast %ge3A_583 : i32 to vector<16xi32>
    %ge3A_585 = arith.cmpi sge, %select_n3A_582, %ge3A_584 : vector<16xi32>
    %sub3A_586 = arith.constant 100000 : i32
    %sub3A_587 = vector.broadcast %sub3A_586 : i32 to vector<16xi32>
    %sub3A_588 = arith.subi %select_n3A_582, %sub3A_587 : vector<16xi32>
    %select_n3A_589 = arith.select %ge3A_585, %sub3A_588, %select_n3A_582 : vector<16xi1>, vector<16xi32>
    %swap3A_590 = arith.constant 288 : index
    %swap3A_591 = tpu.vector_load %arg5[%swap3A_590] {strides = array<i32>} : memref<512xi32, #tpu.memory_space<vmem>>, vector<16xi32>,
    %swap3A_592 = vector.shape_cast %swap3A_591 : vector<16xi32> to vector<16xi32>
    %swap3A_593 = vector.shape_cast %select_n3A_589 : vector<16xi32> to vector<16xi32>
    tpu.vector_store %arg5[%swap3A_590], %swap3A_593 {strides = array<i32>} : memref<512xi32, #tpu.memory_space<vmem>>, vector<16xi32>,
    %get3A_594 = arith.constant 304 : index
    %get3A_595 = tpu.vector_load %arg5[%get3A_594] {strides = array<i32>} : memref<512xi32, #tpu.memory_space<vmem>>, vector<16xi32>,
    %get3A_596 = vector.shape_cast %get3A_595 : vector<16xi32> to vector<16xi32>
    %convert_element_type3A_597 = arith.sitofp %get3A_596 : vector<16xi32> to vector<16xf32>
    %mul3A_598 = arith.constant 9.99999974E-6 : f32
    %mul3A_599 = vector.broadcast %mul3A_598 : f32 to vector<16xf32>
    %mul3A_600 = arith.mulf %convert_element_type3A_597, %mul3A_599 : vector<16xf32>
    %convert_element_type3A_601 = arith.fptosi %mul3A_600 : vector<16xf32> to vector<16xi32>
    %mul3A_602 = arith.constant 100000 : i32
    %mul3A_603 = vector.broadcast %mul3A_602 : i32 to vector<16xi32>
    %mul3A_604 = arith.muli %convert_element_type3A_601, %mul3A_603 : vector<16xi32>
    %sub3A_605 = arith.subi %get3A_596, %mul3A_604 : vector<16xi32>
    %lt3A_606 = arith.constant 0 : i32
    %lt3A_607 = vector.broadcast %lt3A_606 : i32 to vector<16xi32>
    %lt3A_608 = arith.cmpi slt, %sub3A_605, %lt3A_607 : vector<16xi32>
    %add3A_609 = arith.constant 100000 : i32
    %add3A_610 = vector.broadcast %add3A_609 : i32 to vector<16xi32>
    %add3A_611 = arith.addi %sub3A_605, %add3A_610 : vector<16xi32>
    %select_n3A_612 = arith.select %lt3A_608, %add3A_611, %sub3A_605 : vector<16xi1>, vector<16xi32>
    %ge3A_613 = arith.constant 100000 : i32
    %ge3A_614 = vector.broadcast %ge3A_613 : i32 to vector<16xi32>
    %ge3A_615 = arith.cmpi sge, %select_n3A_612, %ge3A_614 : vector<16xi32>
    %sub3A_616 = arith.constant 100000 : i32
    %sub3A_617 = vector.broadcast %sub3A_616 : i32 to vector<16xi32>
    %sub3A_618 = arith.subi %select_n3A_612, %sub3A_617 : vector<16xi32>
    %select_n3A_619 = arith.select %ge3A_615, %sub3A_618, %select_n3A_612 : vector<16xi1>, vector<16xi32>
    %swap3A_620 = arith.constant 304 : index
    %swap3A_621 = tpu.vector_load %arg5[%swap3A_620] {strides = array<i32>} : memref<512xi32, #tpu.memory_space<vmem>>, vector<16xi32>,
    %swap3A_622 = vector.shape_cast %swap3A_621 : vector<16xi32> to vector<16xi32>
    %swap3A_623 = vector.shape_cast %select_n3A_619 : vector<16xi32> to vector<16xi32>
    tpu.vector_store %arg5[%swap3A_620], %swap3A_623 {strides = array<i32>} : memref<512xi32, #tpu.memory_space<vmem>>, vector<16xi32>,
    %get3A_624 = arith.constant 320 : index
    %get3A_625 = tpu.vector_load %arg5[%get3A_624] {strides = array<i32>} : memref<512xi32, #tpu.memory_space<vmem>>, vector<16xi32>,
    %get3A_626 = vector.shape_cast %get3A_625 : vector<16xi32> to vector<16xi32>
    %convert_element_type3A_627 = arith.sitofp %get3A_626 : vector<16xi32> to vector<16xf32>
    %mul3A_628 = arith.constant 9.99999974E-6 : f32
    %mul3A_629 = vector.broadcast %mul3A_628 : f32 to vector<16xf32>
    %mul3A_630 = arith.mulf %convert_element_type3A_627, %mul3A_629 : vector<16xf32>
    %convert_element_type3A_631 = arith.fptosi %mul3A_630 : vector<16xf32> to vector<16xi32>
    %mul3A_632 = arith.constant 100000 : i32
    %mul3A_633 = vector.broadcast %mul3A_632 : i32 to vector<16xi32>
    %mul3A_634 = arith.muli %convert_element_type3A_631, %mul3A_633 : vector<16xi32>
    %sub3A_635 = arith.subi %get3A_626, %mul3A_634 : vector<16xi32>
    %lt3A_636 = arith.constant 0 : i32
    %lt3A_637 = vector.broadcast %lt3A_636 : i32 to vector<16xi32>
    %lt3A_638 = arith.cmpi slt, %sub3A_635, %lt3A_637 : vector<16xi32>
    %add3A_639 = arith.constant 100000 : i32
    %add3A_640 = vector.broadcast %add3A_639 : i32 to vector<16xi32>
    %add3A_641 = arith.addi %sub3A_635, %add3A_640 : vector<16xi32>
    %select_n3A_642 = arith.select %lt3A_638, %add3A_641, %sub3A_635 : vector<16xi1>, vector<16xi32>
    %ge3A_643 = arith.constant 100000 : i32
    %ge3A_644 = vector.broadcast %ge3A_643 : i32 to vector<16xi32>
    %ge3A_645 = arith.cmpi sge, %select_n3A_642, %ge3A_644 : vector<16xi32>
    %sub3A_646 = arith.constant 100000 : i32
    %sub3A_647 = vector.broadcast %sub3A_646 : i32 to vector<16xi32>
    %sub3A_648 = arith.subi %select_n3A_642, %sub3A_647 : vector<16xi32>
    %select_n3A_649 = arith.select %ge3A_645, %sub3A_648, %select_n3A_642 : vector<16xi1>, vector<16xi32>
    %swap3A_650 = arith.constant 320 : index
    %swap3A_651 = tpu.vector_load %arg5[%swap3A_650] {strides = array<i32>} : memref<512xi32, #tpu.memory_space<vmem>>, vector<16xi32>,
    %swap3A_652 = vector.shape_cast %swap3A_651 : vector<16xi32> to vector<16xi32>
    %swap3A_653 = vector.shape_cast %select_n3A_649 : vector<16xi32> to vector<16xi32>
    tpu.vector_store %arg5[%swap3A_650], %swap3A_653 {strides = array<i32>} : memref<512xi32, #tpu.memory_space<vmem>>, vector<16xi32>,
    %get3A_654 = arith.constant 336 : index
    %get3A_655 = tpu.vector_load %arg5[%get3A_654] {strides = array<i32>} : memref<512xi32, #tpu.memory_space<vmem>>, vector<16xi32>,
    %get3A_656 = vector.shape_cast %get3A_655 : vector<16xi32> to vector<16xi32>
    %convert_element_type3A_657 = arith.sitofp %get3A_656 : vector<16xi32> to vector<16xf32>
    %mul3A_658 = arith.constant 9.99999974E-6 : f32
    %mul3A_659 = vector.broadcast %mul3A_658 : f32 to vector<16xf32>
    %mul3A_660 = arith.mulf %convert_element_type3A_657, %mul3A_659 : vector<16xf32>
    %convert_element_type3A_661 = arith.fptosi %mul3A_660 : vector<16xf32> to vector<16xi32>
    %mul3A_662 = arith.constant 100000 : i32
    %mul3A_663 = vector.broadcast %mul3A_662 : i32 to vector<16xi32>
    %mul3A_664 = arith.muli %convert_element_type3A_661, %mul3A_663 : vector<16xi32>
    %sub3A_665 = arith.subi %get3A_656, %mul3A_664 : vector<16xi32>
    %lt3A_666 = arith.constant 0 : i32
    %lt3A_667 = vector.broadcast %lt3A_666 : i32 to vector<16xi32>
    %lt3A_668 = arith.cmpi slt, %sub3A_665, %lt3A_667 : vector<16xi32>
    %add3A_669 = arith.constant 100000 : i32
    %add3A_670 = vector.broadcast %add3A_669 : i32 to vector<16xi32>
    %add3A_671 = arith.addi %sub3A_665, %add3A_670 : vector<16xi32>
    %select_n3A_672 = arith.select %lt3A_668, %add3A_671, %sub3A_665 : vector<16xi1>, vector<16xi32>
    %ge3A_673 = arith.constant 100000 : i32
    %ge3A_674 = vector.broadcast %ge3A_673 : i32 to vector<16xi32>
    %ge3A_675 = arith.cmpi sge, %select_n3A_672, %ge3A_674 : vector<16xi32>
    %sub3A_676 = arith.constant 100000 : i32
    %sub3A_677 = vector.broadcast %sub3A_676 : i32 to vector<16xi32>
    %sub3A_678 = arith.subi %select_n3A_672, %sub3A_677 : vector<16xi32>
    %select_n3A_679 = arith.select %ge3A_675, %sub3A_678, %select_n3A_672 : vector<16xi1>, vector<16xi32>
    %swap3A_680 = arith.constant 336 : index
    %swap3A_681 = tpu.vector_load %arg5[%swap3A_680] {strides = array<i32>} : memref<512xi32, #tpu.memory_space<vmem>>, vector<16xi32>,
    %swap3A_682 = vector.shape_cast %swap3A_681 : vector<16xi32> to vector<16xi32>
    %swap3A_683 = vector.shape_cast %select_n3A_679 : vector<16xi32> to vector<16xi32>
    tpu.vector_store %arg5[%swap3A_680], %swap3A_683 {strides = array<i32>} : memref<512xi32, #tpu.memory_space<vmem>>, vector<16xi32>,
    %get3A_684 = arith.constant 352 : index
    %get3A_685 = tpu.vector_load %arg5[%get3A_684] {strides = array<i32>} : memref<512xi32, #tpu.memory_space<vmem>>, vector<16xi32>,
    %get3A_686 = vector.shape_cast %get3A_685 : vector<16xi32> to vector<16xi32>
    %convert_element_type3A_687 = arith.sitofp %get3A_686 : vector<16xi32> to vector<16xf32>
    %mul3A_688 = arith.constant 9.99999974E-6 : f32
    %mul3A_689 = vector.broadcast %mul3A_688 : f32 to vector<16xf32>
    %mul3A_690 = arith.mulf %convert_element_type3A_687, %mul3A_689 : vector<16xf32>
    %convert_element_type3A_691 = arith.fptosi %mul3A_690 : vector<16xf32> to vector<16xi32>
    %mul3A_692 = arith.constant 100000 : i32
    %mul3A_693 = vector.broadcast %mul3A_692 : i32 to vector<16xi32>
    %mul3A_694 = arith.muli %convert_element_type3A_691, %mul3A_693 : vector<16xi32>
    %sub3A_695 = arith.subi %get3A_686, %mul3A_694 : vector<16xi32>
    %lt3A_696 = arith.constant 0 : i32
    %lt3A_697 = vector.broadcast %lt3A_696 : i32 to vector<16xi32>
    %lt3A_698 = arith.cmpi slt, %sub3A_695, %lt3A_697 : vector<16xi32>
    %add3A_699 = arith.constant 100000 : i32
    %add3A_700 = vector.broadcast %add3A_699 : i32 to vector<16xi32>
    %add3A_701 = arith.addi %sub3A_695, %add3A_700 : vector<16xi32>
    %select_n3A_702 = arith.select %lt3A_698, %add3A_701, %sub3A_695 : vector<16xi1>, vector<16xi32>
    %ge3A_703 = arith.constant 100000 : i32
    %ge3A_704 = vector.broadcast %ge3A_703 : i32 to vector<16xi32>
    %ge3A_705 = arith.cmpi sge, %select_n3A_702, %ge3A_704 : vector<16xi32>
    %sub3A_706 = arith.constant 100000 : i32
    %sub3A_707 = vector.broadcast %sub3A_706 : i32 to vector<16xi32>
    %sub3A_708 = arith.subi %select_n3A_702, %sub3A_707 : vector<16xi32>
    %select_n3A_709 = arith.select %ge3A_705, %sub3A_708, %select_n3A_702 : vector<16xi1>, vector<16xi32>
    %swap3A_710 = arith.constant 352 : index
    %swap3A_711 = tpu.vector_load %arg5[%swap3A_710] {strides = array<i32>} : memref<512xi32, #tpu.memory_space<vmem>>, vector<16xi32>,
    %swap3A_712 = vector.shape_cast %swap3A_711 : vector<16xi32> to vector<16xi32>
    %swap3A_713 = vector.shape_cast %select_n3A_709 : vector<16xi32> to vector<16xi32>
    tpu.vector_store %arg5[%swap3A_710], %swap3A_713 {strides = array<i32>} : memref<512xi32, #tpu.memory_space<vmem>>, vector<16xi32>,
    %get3A_714 = arith.constant 368 : index
    %get3A_715 = tpu.vector_load %arg5[%get3A_714] {strides = array<i32>} : memref<512xi32, #tpu.memory_space<vmem>>, vector<16xi32>,
    %get3A_716 = vector.shape_cast %get3A_715 : vector<16xi32> to vector<16xi32>
    %convert_element_type3A_717 = arith.sitofp %get3A_716 : vector<16xi32> to vector<16xf32>
    %mul3A_718 = arith.constant 9.99999974E-6 : f32
    %mul3A_719 = vector.broadcast %mul3A_718 : f32 to vector<16xf32>
    %mul3A_720 = arith.mulf %convert_element_type3A_717, %mul3A_719 : vector<16xf32>
    %convert_element_type3A_721 = arith.fptosi %mul3A_720 : vector<16xf32> to vector<16xi32>
    %mul3A_722 = arith.constant 100000 : i32
    %mul3A_723 = vector.broadcast %mul3A_722 : i32 to vector<16xi32>
    %mul3A_724 = arith.muli %convert_element_type3A_721, %mul3A_723 : vector<16xi32>
    %sub3A_725 = arith.subi %get3A_716, %mul3A_724 : vector<16xi32>
    %lt3A_726 = arith.constant 0 : i32
    %lt3A_727 = vector.broadcast %lt3A_726 : i32 to vector<16xi32>
    %lt3A_728 = arith.cmpi slt, %sub3A_725, %lt3A_727 : vector<16xi32>
    %add3A_729 = arith.constant 100000 : i32
    %add3A_730 = vector.broadcast %add3A_729 : i32 to vector<16xi32>
    %add3A_731 = arith.addi %sub3A_725, %add3A_730 : vector<16xi32>
    %select_n3A_732 = arith.select %lt3A_728, %add3A_731, %sub3A_725 : vector<16xi1>, vector<16xi32>
    %ge3A_733 = arith.constant 100000 : i32
    %ge3A_734 = vector.broadcast %ge3A_733 : i32 to vector<16xi32>
    %ge3A_735 = arith.cmpi sge, %select_n3A_732, %ge3A_734 : vector<16xi32>
    %sub3A_736 = arith.constant 100000 : i32
    %sub3A_737 = vector.broadcast %sub3A_736 : i32 to vector<16xi32>
    %sub3A_738 = arith.subi %select_n3A_732, %sub3A_737 : vector<16xi32>
    %select_n3A_739 = arith.select %ge3A_735, %sub3A_738, %select_n3A_732 : vector<16xi1>, vector<16xi32>
    %swap3A_740 = arith.constant 368 : index
    %swap3A_741 = tpu.vector_load %arg5[%swap3A_740] {strides = array<i32>} : memref<512xi32, #tpu.memory_space<vmem>>, vector<16xi32>,
    %swap3A_742 = vector.shape_cast %swap3A_741 : vector<16xi32> to vector<16xi32>
    %swap3A_743 = vector.shape_cast %select_n3A_739 : vector<16xi32> to vector<16xi32>
    tpu.vector_store %arg5[%swap3A_740], %swap3A_743 {strides = array<i32>} : memref<512xi32, #tpu.memory_space<vmem>>, vector<16xi32>,
    %dma_start3A_744 = arith.constant 256 : i32
    %dma_start3A_745 = arith.constant 0 : i32
    %dma_start3A_746 = tpu.memref_slice %arg6[%dma_start3A_744, %dma_start3A_745] : memref<512x128xf32, #tpu.memory_space<vmem>> -> memref<128x128xf32, #tpu.memory_space<vmem>>
    %dma_start3A_747 = arith.constant 256 : i32
    %dma_start3A_748 = tpu.memref_slice %arg5[%dma_start3A_747] : memref<512xi32, #tpu.memory_space<vmem>> -> memref<128xi32, #tpu.memory_space<vmem>>
    %dma_start3A_749 = arith.constant 0 : i32
    %dma_start3A_750 = arith.constant 0 : i32
    %dma_start3A_751 = tpu.memref_slice %arg3[%dma_start3A_749, %dma_start3A_750] : memref<100000x128xf32, #tpu.memory_space<hbm>> -> memref<100000x128xf32, #tpu.memory_space<hbm>>
    tpu.enqueue_indirect_dma source(%dma_start3A_751 : memref<100000x128xf32, #tpu.memory_space<hbm>>) target(%dma_start3A_746 : memref<128x128xf32, #tpu.memory_space<vmem>>) offsets(%dma_start3A_748 : memref<128xi32, #tpu.memory_space<vmem>>) semaphore(%arg7 : memref<!tpu.dma_semaphore, #tpu.memory_space<semaphore_mem>>)
    %get3A_752 = arith.constant 384 : index
    %get3A_753 = tpu.vector_load %arg5[%get3A_752] {strides = array<i32>} : memref<512xi32, #tpu.memory_space<vmem>>, vector<16xi32>,
    %get3A_754 = vector.shape_cast %get3A_753 : vector<16xi32> to vector<16xi32>
    %convert_element_type3A_755 = arith.sitofp %get3A_754 : vector<16xi32> to vector<16xf32>
    %mul3A_756 = arith.constant 9.99999974E-6 : f32
    %mul3A_757 = vector.broadcast %mul3A_756 : f32 to vector<16xf32>
    %mul3A_758 = arith.mulf %convert_element_type3A_755, %mul3A_757 : vector<16xf32>
    %convert_element_type3A_759 = arith.fptosi %mul3A_758 : vector<16xf32> to vector<16xi32>
    %mul3A_760 = arith.constant 100000 : i32
    %mul3A_761 = vector.broadcast %mul3A_760 : i32 to vector<16xi32>
    %mul3A_762 = arith.muli %convert_element_type3A_759, %mul3A_761 : vector<16xi32>
    %sub3A_763 = arith.subi %get3A_754, %mul3A_762 : vector<16xi32>
    %lt3A_764 = arith.constant 0 : i32
    %lt3A_765 = vector.broadcast %lt3A_764 : i32 to vector<16xi32>
    %lt3A_766 = arith.cmpi slt, %sub3A_763, %lt3A_765 : vector<16xi32>
    %add3A_767 = arith.constant 100000 : i32
    %add3A_768 = vector.broadcast %add3A_767 : i32 to vector<16xi32>
    %add3A_769 = arith.addi %sub3A_763, %add3A_768 : vector<16xi32>
    %select_n3A_770 = arith.select %lt3A_766, %add3A_769, %sub3A_763 : vector<16xi1>, vector<16xi32>
    %ge3A_771 = arith.constant 100000 : i32
    %ge3A_772 = vector.broadcast %ge3A_771 : i32 to vector<16xi32>
    %ge3A_773 = arith.cmpi sge, %select_n3A_770, %ge3A_772 : vector<16xi32>
    %sub3A_774 = arith.constant 100000 : i32
    %sub3A_775 = vector.broadcast %sub3A_774 : i32 to vector<16xi32>
    %sub3A_776 = arith.subi %select_n3A_770, %sub3A_775 : vector<16xi32>
    %select_n3A_777 = arith.select %ge3A_773, %sub3A_776, %select_n3A_770 : vector<16xi1>, vector<16xi32>
    %swap3A_778 = arith.constant 384 : index
    %swap3A_779 = tpu.vector_load %arg5[%swap3A_778] {strides = array<i32>} : memref<512xi32, #tpu.memory_space<vmem>>, vector<16xi32>,
    %swap3A_780 = vector.shape_cast %swap3A_779 : vector<16xi32> to vector<16xi32>
    %swap3A_781 = vector.shape_cast %select_n3A_777 : vector<16xi32> to vector<16xi32>
    tpu.vector_store %arg5[%swap3A_778], %swap3A_781 {strides = array<i32>} : memref<512xi32, #tpu.memory_space<vmem>>, vector<16xi32>,
    %get3A_782 = arith.constant 400 : index
    %get3A_783 = tpu.vector_load %arg5[%get3A_782] {strides = array<i32>} : memref<512xi32, #tpu.memory_space<vmem>>, vector<16xi32>,
    %get3A_784 = vector.shape_cast %get3A_783 : vector<16xi32> to vector<16xi32>
    %convert_element_type3A_785 = arith.sitofp %get3A_784 : vector<16xi32> to vector<16xf32>
    %mul3A_786 = arith.constant 9.99999974E-6 : f32
    %mul3A_787 = vector.broadcast %mul3A_786 : f32 to vector<16xf32>
    %mul3A_788 = arith.mulf %convert_element_type3A_785, %mul3A_787 : vector<16xf32>
    %convert_element_type3A_789 = arith.fptosi %mul3A_788 : vector<16xf32> to vector<16xi32>
    %mul3A_790 = arith.constant 100000 : i32
    %mul3A_791 = vector.broadcast %mul3A_790 : i32 to vector<16xi32>
    %mul3A_792 = arith.muli %convert_element_type3A_789, %mul3A_791 : vector<16xi32>
    %sub3A_793 = arith.subi %get3A_784, %mul3A_792 : vector<16xi32>
    %lt3A_794 = arith.constant 0 : i32
    %lt3A_795 = vector.broadcast %lt3A_794 : i32 to vector<16xi32>
    %lt3A_796 = arith.cmpi slt, %sub3A_793, %lt3A_795 : vector<16xi32>
    %add3A_797 = arith.constant 100000 : i32
    %add3A_798 = vector.broadcast %add3A_797 : i32 to vector<16xi32>
    %add3A_799 = arith.addi %sub3A_793, %add3A_798 : vector<16xi32>
    %select_n3A_800 = arith.select %lt3A_796, %add3A_799, %sub3A_793 : vector<16xi1>, vector<16xi32>
    %ge3A_801 = arith.constant 100000 : i32
    %ge3A_802 = vector.broadcast %ge3A_801 : i32 to vector<16xi32>
    %ge3A_803 = arith.cmpi sge, %select_n3A_800, %ge3A_802 : vector<16xi32>
    %sub3A_804 = arith.constant 100000 : i32
    %sub3A_805 = vector.broadcast %sub3A_804 : i32 to vector<16xi32>
    %sub3A_806 = arith.subi %select_n3A_800, %sub3A_805 : vector<16xi32>
    %select_n3A_807 = arith.select %ge3A_803, %sub3A_806, %select_n3A_800 : vector<16xi1>, vector<16xi32>
    %swap3A_808 = arith.constant 400 : index
    %swap3A_809 = tpu.vector_load %arg5[%swap3A_808] {strides = array<i32>} : memref<512xi32, #tpu.memory_space<vmem>>, vector<16xi32>,
    %swap3A_810 = vector.shape_cast %swap3A_809 : vector<16xi32> to vector<16xi32>
    %swap3A_811 = vector.shape_cast %select_n3A_807 : vector<16xi32> to vector<16xi32>
    tpu.vector_store %arg5[%swap3A_808], %swap3A_811 {strides = array<i32>} : memref<512xi32, #tpu.memory_space<vmem>>, vector<16xi32>,
    %get3A_812 = arith.constant 416 : index
    %get3A_813 = tpu.vector_load %arg5[%get3A_812] {strides = array<i32>} : memref<512xi32, #tpu.memory_space<vmem>>, vector<16xi32>,
    %get3A_814 = vector.shape_cast %get3A_813 : vector<16xi32> to vector<16xi32>
    %convert_element_type3A_815 = arith.sitofp %get3A_814 : vector<16xi32> to vector<16xf32>
    %mul3A_816 = arith.constant 9.99999974E-6 : f32
    %mul3A_817 = vector.broadcast %mul3A_816 : f32 to vector<16xf32>
    %mul3A_818 = arith.mulf %convert_element_type3A_815, %mul3A_817 : vector<16xf32>
    %convert_element_type3A_819 = arith.fptosi %mul3A_818 : vector<16xf32> to vector<16xi32>
    %mul3A_820 = arith.constant 100000 : i32
    %mul3A_821 = vector.broadcast %mul3A_820 : i32 to vector<16xi32>
    %mul3A_822 = arith.muli %convert_element_type3A_819, %mul3A_821 : vector<16xi32>
    %sub3A_823 = arith.subi %get3A_814, %mul3A_822 : vector<16xi32>
    %lt3A_824 = arith.constant 0 : i32
    %lt3A_825 = vector.broadcast %lt3A_824 : i32 to vector<16xi32>
    %lt3A_826 = arith.cmpi slt, %sub3A_823, %lt3A_825 : vector<16xi32>
    %add3A_827 = arith.constant 100000 : i32
    %add3A_828 = vector.broadcast %add3A_827 : i32 to vector<16xi32>
    %add3A_829 = arith.addi %sub3A_823, %add3A_828 : vector<16xi32>
    %select_n3A_830 = arith.select %lt3A_826, %add3A_829, %sub3A_823 : vector<16xi1>, vector<16xi32>
    %ge3A_831 = arith.constant 100000 : i32
    %ge3A_832 = vector.broadcast %ge3A_831 : i32 to vector<16xi32>
    %ge3A_833 = arith.cmpi sge, %select_n3A_830, %ge3A_832 : vector<16xi32>
    %sub3A_834 = arith.constant 100000 : i32
    %sub3A_835 = vector.broadcast %sub3A_834 : i32 to vector<16xi32>
    %sub3A_836 = arith.subi %select_n3A_830, %sub3A_835 : vector<16xi32>
    %select_n3A_837 = arith.select %ge3A_833, %sub3A_836, %select_n3A_830 : vector<16xi1>, vector<16xi32>
    %swap3A_838 = arith.constant 416 : index
    %swap3A_839 = tpu.vector_load %arg5[%swap3A_838] {strides = array<i32>} : memref<512xi32, #tpu.memory_space<vmem>>, vector<16xi32>,
    %swap3A_840 = vector.shape_cast %swap3A_839 : vector<16xi32> to vector<16xi32>
    %swap3A_841 = vector.shape_cast %select_n3A_837 : vector<16xi32> to vector<16xi32>
    tpu.vector_store %arg5[%swap3A_838], %swap3A_841 {strides = array<i32>} : memref<512xi32, #tpu.memory_space<vmem>>, vector<16xi32>,
    %get3A_842 = arith.constant 432 : index
    %get3A_843 = tpu.vector_load %arg5[%get3A_842] {strides = array<i32>} : memref<512xi32, #tpu.memory_space<vmem>>, vector<16xi32>,
    %get3A_844 = vector.shape_cast %get3A_843 : vector<16xi32> to vector<16xi32>
    %convert_element_type3A_845 = arith.sitofp %get3A_844 : vector<16xi32> to vector<16xf32>
    %mul3A_846 = arith.constant 9.99999974E-6 : f32
    %mul3A_847 = vector.broadcast %mul3A_846 : f32 to vector<16xf32>
    %mul3A_848 = arith.mulf %convert_element_type3A_845, %mul3A_847 : vector<16xf32>
    %convert_element_type3A_849 = arith.fptosi %mul3A_848 : vector<16xf32> to vector<16xi32>
    %mul3A_850 = arith.constant 100000 : i32
    %mul3A_851 = vector.broadcast %mul3A_850 : i32 to vector<16xi32>
    %mul3A_852 = arith.muli %convert_element_type3A_849, %mul3A_851 : vector<16xi32>
    %sub3A_853 = arith.subi %get3A_844, %mul3A_852 : vector<16xi32>
    %lt3A_854 = arith.constant 0 : i32
    %lt3A_855 = vector.broadcast %lt3A_854 : i32 to vector<16xi32>
    %lt3A_856 = arith.cmpi slt, %sub3A_853, %lt3A_855 : vector<16xi32>
    %add3A_857 = arith.constant 100000 : i32
    %add3A_858 = vector.broadcast %add3A_857 : i32 to vector<16xi32>
    %add3A_859 = arith.addi %sub3A_853, %add3A_858 : vector<16xi32>
    %select_n3A_860 = arith.select %lt3A_856, %add3A_859, %sub3A_853 : vector<16xi1>, vector<16xi32>
    %ge3A_861 = arith.constant 100000 : i32
    %ge3A_862 = vector.broadcast %ge3A_861 : i32 to vector<16xi32>
    %ge3A_863 = arith.cmpi sge, %select_n3A_860, %ge3A_862 : vector<16xi32>
    %sub3A_864 = arith.constant 100000 : i32
    %sub3A_865 = vector.broadcast %sub3A_864 : i32 to vector<16xi32>
    %sub3A_866 = arith.subi %select_n3A_860, %sub3A_865 : vector<16xi32>
    %select_n3A_867 = arith.select %ge3A_863, %sub3A_866, %select_n3A_860 : vector<16xi1>, vector<16xi32>
    %swap3A_868 = arith.constant 432 : index
    %swap3A_869 = tpu.vector_load %arg5[%swap3A_868] {strides = array<i32>} : memref<512xi32, #tpu.memory_space<vmem>>, vector<16xi32>,
    %swap3A_870 = vector.shape_cast %swap3A_869 : vector<16xi32> to vector<16xi32>
    %swap3A_871 = vector.shape_cast %select_n3A_867 : vector<16xi32> to vector<16xi32>
    tpu.vector_store %arg5[%swap3A_868], %swap3A_871 {strides = array<i32>} : memref<512xi32, #tpu.memory_space<vmem>>, vector<16xi32>,
    %get3A_872 = arith.constant 448 : index
    %get3A_873 = tpu.vector_load %arg5[%get3A_872] {strides = array<i32>} : memref<512xi32, #tpu.memory_space<vmem>>, vector<16xi32>,
    %get3A_874 = vector.shape_cast %get3A_873 : vector<16xi32> to vector<16xi32>
    %convert_element_type3A_875 = arith.sitofp %get3A_874 : vector<16xi32> to vector<16xf32>
    %mul3A_876 = arith.constant 9.99999974E-6 : f32
    %mul3A_877 = vector.broadcast %mul3A_876 : f32 to vector<16xf32>
    %mul3A_878 = arith.mulf %convert_element_type3A_875, %mul3A_877 : vector<16xf32>
    %convert_element_type3A_879 = arith.fptosi %mul3A_878 : vector<16xf32> to vector<16xi32>
    %mul3A_880 = arith.constant 100000 : i32
    %mul3A_881 = vector.broadcast %mul3A_880 : i32 to vector<16xi32>
    %mul3A_882 = arith.muli %convert_element_type3A_879, %mul3A_881 : vector<16xi32>
    %sub3A_883 = arith.subi %get3A_874, %mul3A_882 : vector<16xi32>
    %lt3A_884 = arith.constant 0 : i32
    %lt3A_885 = vector.broadcast %lt3A_884 : i32 to vector<16xi32>
    %lt3A_886 = arith.cmpi slt, %sub3A_883, %lt3A_885 : vector<16xi32>
    %add3A_887 = arith.constant 100000 : i32
    %add3A_888 = vector.broadcast %add3A_887 : i32 to vector<16xi32>
    %add3A_889 = arith.addi %sub3A_883, %add3A_888 : vector<16xi32>
    %select_n3A_890 = arith.select %lt3A_886, %add3A_889, %sub3A_883 : vector<16xi1>, vector<16xi32>
    %ge3A_891 = arith.constant 100000 : i32
    %ge3A_892 = vector.broadcast %ge3A_891 : i32 to vector<16xi32>
    %ge3A_893 = arith.cmpi sge, %select_n3A_890, %ge3A_892 : vector<16xi32>
    %sub3A_894 = arith.constant 100000 : i32
    %sub3A_895 = vector.broadcast %sub3A_894 : i32 to vector<16xi32>
    %sub3A_896 = arith.subi %select_n3A_890, %sub3A_895 : vector<16xi32>
    %select_n3A_897 = arith.select %ge3A_893, %sub3A_896, %select_n3A_890 : vector<16xi1>, vector<16xi32>
    %swap3A_898 = arith.constant 448 : index
    %swap3A_899 = tpu.vector_load %arg5[%swap3A_898] {strides = array<i32>} : memref<512xi32, #tpu.memory_space<vmem>>, vector<16xi32>,
    %swap3A_900 = vector.shape_cast %swap3A_899 : vector<16xi32> to vector<16xi32>
    %swap3A_901 = vector.shape_cast %select_n3A_897 : vector<16xi32> to vector<16xi32>
    tpu.vector_store %arg5[%swap3A_898], %swap3A_901 {strides = array<i32>} : memref<512xi32, #tpu.memory_space<vmem>>, vector<16xi32>,
    %get3A_902 = arith.constant 464 : index
    %get3A_903 = tpu.vector_load %arg5[%get3A_902] {strides = array<i32>} : memref<512xi32, #tpu.memory_space<vmem>>, vector<16xi32>,
    %get3A_904 = vector.shape_cast %get3A_903 : vector<16xi32> to vector<16xi32>
    %convert_element_type3A_905 = arith.sitofp %get3A_904 : vector<16xi32> to vector<16xf32>
    %mul3A_906 = arith.constant 9.99999974E-6 : f32
    %mul3A_907 = vector.broadcast %mul3A_906 : f32 to vector<16xf32>
    %mul3A_908 = arith.mulf %convert_element_type3A_905, %mul3A_907 : vector<16xf32>
    %convert_element_type3A_909 = arith.fptosi %mul3A_908 : vector<16xf32> to vector<16xi32>
    %mul3A_910 = arith.constant 100000 : i32
    %mul3A_911 = vector.broadcast %mul3A_910 : i32 to vector<16xi32>
    %mul3A_912 = arith.muli %convert_element_type3A_909, %mul3A_911 : vector<16xi32>
    %sub3A_913 = arith.subi %get3A_904, %mul3A_912 : vector<16xi32>
    %lt3A_914 = arith.constant 0 : i32
    %lt3A_915 = vector.broadcast %lt3A_914 : i32 to vector<16xi32>
    %lt3A_916 = arith.cmpi slt, %sub3A_913, %lt3A_915 : vector<16xi32>
    %add3A_917 = arith.constant 100000 : i32
    %add3A_918 = vector.broadcast %add3A_917 : i32 to vector<16xi32>
    %add3A_919 = arith.addi %sub3A_913, %add3A_918 : vector<16xi32>
    %select_n3A_920 = arith.select %lt3A_916, %add3A_919, %sub3A_913 : vector<16xi1>, vector<16xi32>
    %ge3A_921 = arith.constant 100000 : i32
    %ge3A_922 = vector.broadcast %ge3A_921 : i32 to vector<16xi32>
    %ge3A_923 = arith.cmpi sge, %select_n3A_920, %ge3A_922 : vector<16xi32>
    %sub3A_924 = arith.constant 100000 : i32
    %sub3A_925 = vector.broadcast %sub3A_924 : i32 to vector<16xi32>
    %sub3A_926 = arith.subi %select_n3A_920, %sub3A_925 : vector<16xi32>
    %select_n3A_927 = arith.select %ge3A_923, %sub3A_926, %select_n3A_920 : vector<16xi1>, vector<16xi32>
    %swap3A_928 = arith.constant 464 : index
    %swap3A_929 = tpu.vector_load %arg5[%swap3A_928] {strides = array<i32>} : memref<512xi32, #tpu.memory_space<vmem>>, vector<16xi32>,
    %swap3A_930 = vector.shape_cast %swap3A_929 : vector<16xi32> to vector<16xi32>
    %swap3A_931 = vector.shape_cast %select_n3A_927 : vector<16xi32> to vector<16xi32>
    tpu.vector_store %arg5[%swap3A_928], %swap3A_931 {strides = array<i32>} : memref<512xi32, #tpu.memory_space<vmem>>, vector<16xi32>,
    %dma_start3A_932 = arith.constant 384 : i32
    %dma_start3A_933 = arith.constant 0 : i32
    %dma_start3A_934 = tpu.memref_slice %arg6[%dma_start3A_932, %dma_start3A_933] : memref<512x128xf32, #tpu.memory_space<vmem>> -> memref<96x128xf32, #tpu.memory_space<vmem>>
    %dma_start3A_935 = arith.constant 384 : i32
    %dma_start3A_936 = tpu.memref_slice %arg5[%dma_start3A_935] : memref<512xi32, #tpu.memory_space<vmem>> -> memref<96xi32, #tpu.memory_space<vmem>>
    %dma_start3A_937 = arith.constant 0 : i32
    %dma_start3A_938 = arith.constant 0 : i32
    %dma_start3A_939 = tpu.memref_slice %arg3[%dma_start3A_937, %dma_start3A_938] : memref<100000x128xf32, #tpu.memory_space<hbm>> -> memref<100000x128xf32, #tpu.memory_space<hbm>>
    tpu.enqueue_indirect_dma source(%dma_start3A_939 : memref<100000x128xf32, #tpu.memory_space<hbm>>) target(%dma_start3A_934 : memref<96x128xf32, #tpu.memory_space<vmem>>) offsets(%dma_start3A_936 : memref<96xi32, #tpu.memory_space<vmem>>) semaphore(%arg7 : memref<!tpu.dma_semaphore, #tpu.memory_space<semaphore_mem>>)
    %get3A_940 = arith.constant 480 : index
    %get3A_941 = tpu.vector_load %arg5[%get3A_940] {strides = array<i32>} : memref<512xi32, #tpu.memory_space<vmem>>, vector<16xi32>,
    %get3A_942 = vector.shape_cast %get3A_941 : vector<16xi32> to vector<16xi32>
    %convert_element_type3A_943 = arith.sitofp %get3A_942 : vector<16xi32> to vector<16xf32>
    %mul3A_944 = arith.constant 9.99999974E-6 : f32
    %mul3A_945 = vector.broadcast %mul3A_944 : f32 to vector<16xf32>
    %mul3A_946 = arith.mulf %convert_element_type3A_943, %mul3A_945 : vector<16xf32>
    %convert_element_type3A_947 = arith.fptosi %mul3A_946 : vector<16xf32> to vector<16xi32>
    %mul3A_948 = arith.constant 100000 : i32
    %mul3A_949 = vector.broadcast %mul3A_948 : i32 to vector<16xi32>
    %mul3A_950 = arith.muli %convert_element_type3A_947, %mul3A_949 : vector<16xi32>
    %sub3A_951 = arith.subi %get3A_942, %mul3A_950 : vector<16xi32>
    %lt3A_952 = arith.constant 0 : i32
    %lt3A_953 = vector.broadcast %lt3A_952 : i32 to vector<16xi32>
    %lt3A_954 = arith.cmpi slt, %sub3A_951, %lt3A_953 : vector<16xi32>
    %add3A_955 = arith.constant 100000 : i32
    %add3A_956 = vector.broadcast %add3A_955 : i32 to vector<16xi32>
    %add3A_957 = arith.addi %sub3A_951, %add3A_956 : vector<16xi32>
    %select_n3A_958 = arith.select %lt3A_954, %add3A_957, %sub3A_951 : vector<16xi1>, vector<16xi32>
    %ge3A_959 = arith.constant 100000 : i32
    %ge3A_960 = vector.broadcast %ge3A_959 : i32 to vector<16xi32>
    %ge3A_961 = arith.cmpi sge, %select_n3A_958, %ge3A_960 : vector<16xi32>
    %sub3A_962 = arith.constant 100000 : i32
    %sub3A_963 = vector.broadcast %sub3A_962 : i32 to vector<16xi32>
    %sub3A_964 = arith.subi %select_n3A_958, %sub3A_963 : vector<16xi32>
    %select_n3A_965 = arith.select %ge3A_961, %sub3A_964, %select_n3A_958 : vector<16xi1>, vector<16xi32>
    %swap3A_966 = arith.constant 480 : index
    %swap3A_967 = tpu.vector_load %arg5[%swap3A_966] {strides = array<i32>} : memref<512xi32, #tpu.memory_space<vmem>>, vector<16xi32>,
    %swap3A_968 = vector.shape_cast %swap3A_967 : vector<16xi32> to vector<16xi32>
    %swap3A_969 = vector.shape_cast %select_n3A_965 : vector<16xi32> to vector<16xi32>
    tpu.vector_store %arg5[%swap3A_966], %swap3A_969 {strides = array<i32>} : memref<512xi32, #tpu.memory_space<vmem>>, vector<16xi32>,
    %get3A_970 = arith.constant 496 : index
    %get3A_971 = tpu.vector_load %arg5[%get3A_970] {strides = array<i32>} : memref<512xi32, #tpu.memory_space<vmem>>, vector<16xi32>,
    %get3A_972 = vector.shape_cast %get3A_971 : vector<16xi32> to vector<16xi32>
    %convert_element_type3A_973 = arith.sitofp %get3A_972 : vector<16xi32> to vector<16xf32>
    %mul3A_974 = arith.constant 9.99999974E-6 : f32
    %mul3A_975 = vector.broadcast %mul3A_974 : f32 to vector<16xf32>
    %mul3A_976 = arith.mulf %convert_element_type3A_973, %mul3A_975 : vector<16xf32>
    %convert_element_type3A_977 = arith.fptosi %mul3A_976 : vector<16xf32> to vector<16xi32>
    %mul3A_978 = arith.constant 100000 : i32
    %mul3A_979 = vector.broadcast %mul3A_978 : i32 to vector<16xi32>
    %mul3A_980 = arith.muli %convert_element_type3A_977, %mul3A_979 : vector<16xi32>
    %sub3A_981 = arith.subi %get3A_972, %mul3A_980 : vector<16xi32>
    %lt3A_982 = arith.constant 0 : i32
    %lt3A_983 = vector.broadcast %lt3A_982 : i32 to vector<16xi32>
    %lt3A_984 = arith.cmpi slt, %sub3A_981, %lt3A_983 : vector<16xi32>
    %add3A_985 = arith.constant 100000 : i32
    %add3A_986 = vector.broadcast %add3A_985 : i32 to vector<16xi32>
    %add3A_987 = arith.addi %sub3A_981, %add3A_986 : vector<16xi32>
    %select_n3A_988 = arith.select %lt3A_984, %add3A_987, %sub3A_981 : vector<16xi1>, vector<16xi32>
    %ge3A_989 = arith.constant 100000 : i32
    %ge3A_990 = vector.broadcast %ge3A_989 : i32 to vector<16xi32>
    %ge3A_991 = arith.cmpi sge, %select_n3A_988, %ge3A_990 : vector<16xi32>
    %sub3A_992 = arith.constant 100000 : i32
    %sub3A_993 = vector.broadcast %sub3A_992 : i32 to vector<16xi32>
    %sub3A_994 = arith.subi %select_n3A_988, %sub3A_993 : vector<16xi32>
    %select_n3A_995 = arith.select %ge3A_991, %sub3A_994, %select_n3A_988 : vector<16xi1>, vector<16xi32>
    %swap3A_996 = arith.constant 496 : index
    %swap3A_997 = tpu.vector_load %arg5[%swap3A_996] {strides = array<i32>} : memref<512xi32, #tpu.memory_space<vmem>>, vector<16xi32>,
    %swap3A_998 = vector.shape_cast %swap3A_997 : vector<16xi32> to vector<16xi32>
    %swap3A_999 = vector.shape_cast %select_n3A_995 : vector<16xi32> to vector<16xi32>
    tpu.vector_store %arg5[%swap3A_996], %swap3A_999 {strides = array<i32>} : memref<512xi32, #tpu.memory_space<vmem>>, vector<16xi32>,
    %dma_start3A_1000 = arith.constant 480 : i32
    %dma_start3A_1001 = arith.constant 0 : i32
    %dma_start3A_1002 = tpu.memref_slice %arg6[%dma_start3A_1000, %dma_start3A_1001] : memref<512x128xf32, #tpu.memory_space<vmem>> -> memref<32x128xf32, #tpu.memory_space<vmem>>
    %dma_start3A_1003 = arith.constant 480 : i32
    %dma_start3A_1004 = tpu.memref_slice %arg5[%dma_start3A_1003] : memref<512xi32, #tpu.memory_space<vmem>> -> memref<32xi32, #tpu.memory_space<vmem>>
    %dma_start3A_1005 = arith.constant 0 : i32
    %dma_start3A_1006 = arith.constant 0 : i32
    %dma_start3A_1007 = tpu.memref_slice %arg3[%dma_start3A_1005, %dma_start3A_1006] : memref<100000x128xf32, #tpu.memory_space<hbm>> -> memref<100000x128xf32, #tpu.memory_space<hbm>>
    tpu.enqueue_indirect_dma source(%dma_start3A_1007 : memref<100000x128xf32, #tpu.memory_space<hbm>>) target(%dma_start3A_1002 : memref<32x128xf32, #tpu.memory_space<vmem>>) offsets(%dma_start3A_1004 : memref<32xi32, #tpu.memory_space<vmem>>) semaphore(%arg7 : memref<!tpu.dma_semaphore, #tpu.memory_space<semaphore_mem>>)
    %dma_wait3A_1008 = arith.constant 0 : i32
    %dma_wait3A_1009 = arith.constant 0 : i32
    %dma_wait3A_1010 = tpu.memref_slice %arg6[%dma_wait3A_1008, %dma_wait3A_1009] : memref<512x128xf32, #tpu.memory_space<vmem>> -> memref<128x128xf32, #tpu.memory_space<vmem>>
    %dma_wait3A_1011 = arith.constant 0 : i32
    %dma_wait3A_1012 = tpu.memref_slice %arg5[%dma_wait3A_1011] : memref<512xi32, #tpu.memory_space<vmem>> -> memref<128xi32, #tpu.memory_space<vmem>>
    %dma_wait3A_1013 = arith.constant 0 : i32
    %dma_wait3A_1014 = arith.constant 0 : i32
    %dma_wait3A_1015 = tpu.memref_slice %arg3[%dma_wait3A_1013, %dma_wait3A_1014] : memref<100000x128xf32, #tpu.memory_space<hbm>> -> memref<100000x128xf32, #tpu.memory_space<hbm>>
    tpu.wait_indirect_dma semaphore(%arg7 : memref<!tpu.dma_semaphore, #tpu.memory_space<semaphore_mem>>) src(%dma_wait3A_1015 : memref<100000x128xf32, #tpu.memory_space<hbm>>) dst(%dma_wait3A_1010 : memref<128x128xf32, #tpu.memory_space<vmem>>)
    %add3A_1016 = arith.constant 0 : i32
    %add3A_1017 = arith.addi %mul3A_2, %add3A_1016 : i32
    %dma_start3A_1018 = arith.constant 0 : i32
    %dma_start3A_1019 = arith.constant 0 : i32
    %dma_start3A_1020 = tpu.memref_slice %arg6[%dma_start3A_1018, %dma_start3A_1019] : memref<512x128xf32, #tpu.memory_space<vmem>> -> memref<128x128xf32, #tpu.memory_space<vmem>>
    %dma_start3A_1021 = arith.constant 0 : i32
    %dma_start3A_1022 = tpu.memref_slice %arg4[%add3A_1017, %dma_start3A_1021] : memref<16384x128xf32, #tpu.memory_space<hbm>> -> memref<128x128xf32, #tpu.memory_space<hbm>>
    %dma_start3A_1023 = arith.constant 0 : i32
    %dma_start3A_1024 = tpu.memref_slice %arg4[%add3A_1017, %dma_start3A_1023] : memref<16384x128xf32, #tpu.memory_space<hbm>> -> memref<128x128xf32, #tpu.memory_space<hbm>>
    %dma_start3A_1025 = arith.constant 0 : i32
    %dma_start3A_1026 = arith.constant 0 : i32
    %dma_start3A_1027 = tpu.memref_slice %arg6[%dma_start3A_1025, %dma_start3A_1026] : memref<512x128xf32, #tpu.memory_space<vmem>> -> memref<128x128xf32, #tpu.memory_space<vmem>>
    tpu.enqueue_dma source(%dma_start3A_1027 : memref<128x128xf32, #tpu.memory_space<vmem>>) target(%dma_start3A_1024 : memref<128x128xf32, #tpu.memory_space<hbm>>) target_semaphore(%arg8 : memref<!tpu.dma_semaphore, #tpu.memory_space<semaphore_mem>>)
    %dma_wait3A_1028 = arith.constant 128 : i32
    %dma_wait3A_1029 = arith.constant 0 : i32
    %dma_wait3A_1030 = tpu.memref_slice %arg6[%dma_wait3A_1028, %dma_wait3A_1029] : memref<512x128xf32, #tpu.memory_space<vmem>> -> memref<128x128xf32, #tpu.memory_space<vmem>>
    %dma_wait3A_1031 = arith.constant 128 : i32
    %dma_wait3A_1032 = tpu.memref_slice %arg5[%dma_wait3A_1031] : memref<512xi32, #tpu.memory_space<vmem>> -> memref<128xi32, #tpu.memory_space<vmem>>
    %dma_wait3A_1033 = arith.constant 0 : i32
    %dma_wait3A_1034 = arith.constant 0 : i32
    %dma_wait3A_1035 = tpu.memref_slice %arg3[%dma_wait3A_1033, %dma_wait3A_1034] : memref<100000x128xf32, #tpu.memory_space<hbm>> -> memref<100000x128xf32, #tpu.memory_space<hbm>>
    tpu.wait_indirect_dma semaphore(%arg7 : memref<!tpu.dma_semaphore, #tpu.memory_space<semaphore_mem>>) src(%dma_wait3A_1035 : memref<100000x128xf32, #tpu.memory_space<hbm>>) dst(%dma_wait3A_1030 : memref<128x128xf32, #tpu.memory_space<vmem>>)
    %add3A_1036 = arith.constant 128 : i32
    %add3A_1037 = arith.addi %mul3A_2, %add3A_1036 : i32
    %dma_start3A_1038 = arith.constant 128 : i32
    %dma_start3A_1039 = arith.constant 0 : i32
    %dma_start3A_1040 = tpu.memref_slice %arg6[%dma_start3A_1038, %dma_start3A_1039] : memref<512x128xf32, #tpu.memory_space<vmem>> -> memref<128x128xf32, #tpu.memory_space<vmem>>
    %dma_start3A_1041 = arith.constant 0 : i32
    %dma_start3A_1042 = tpu.memref_slice %arg4[%add3A_1037, %dma_start3A_1041] : memref<16384x128xf32, #tpu.memory_space<hbm>> -> memref<128x128xf32, #tpu.memory_space<hbm>>
    %dma_start3A_1043 = arith.constant 0 : i32
    %dma_start3A_1044 = tpu.memref_slice %arg4[%add3A_1037, %dma_start3A_1043] : memref<16384x128xf32, #tpu.memory_space<hbm>> -> memref<128x128xf32, #tpu.memory_space<hbm>>
    %dma_start3A_1045 = arith.constant 128 : i32
    %dma_start3A_1046 = arith.constant 0 : i32
    %dma_start3A_1047 = tpu.memref_slice %arg6[%dma_start3A_1045, %dma_start3A_1046] : memref<512x128xf32, #tpu.memory_space<vmem>> -> memref<128x128xf32, #tpu.memory_space<vmem>>
    tpu.enqueue_dma source(%dma_start3A_1047 : memref<128x128xf32, #tpu.memory_space<vmem>>) target(%dma_start3A_1044 : memref<128x128xf32, #tpu.memory_space<hbm>>) target_semaphore(%arg8 : memref<!tpu.dma_semaphore, #tpu.memory_space<semaphore_mem>>)
    %dma_wait3A_1048 = arith.constant 256 : i32
    %dma_wait3A_1049 = arith.constant 0 : i32
    %dma_wait3A_1050 = tpu.memref_slice %arg6[%dma_wait3A_1048, %dma_wait3A_1049] : memref<512x128xf32, #tpu.memory_space<vmem>> -> memref<128x128xf32, #tpu.memory_space<vmem>>
    %dma_wait3A_1051 = arith.constant 256 : i32
    %dma_wait3A_1052 = tpu.memref_slice %arg5[%dma_wait3A_1051] : memref<512xi32, #tpu.memory_space<vmem>> -> memref<128xi32, #tpu.memory_space<vmem>>
    %dma_wait3A_1053 = arith.constant 0 : i32
    %dma_wait3A_1054 = arith.constant 0 : i32
    %dma_wait3A_1055 = tpu.memref_slice %arg3[%dma_wait3A_1053, %dma_wait3A_1054] : memref<100000x128xf32, #tpu.memory_space<hbm>> -> memref<100000x128xf32, #tpu.memory_space<hbm>>
    tpu.wait_indirect_dma semaphore(%arg7 : memref<!tpu.dma_semaphore, #tpu.memory_space<semaphore_mem>>) src(%dma_wait3A_1055 : memref<100000x128xf32, #tpu.memory_space<hbm>>) dst(%dma_wait3A_1050 : memref<128x128xf32, #tpu.memory_space<vmem>>)
    %add3A_1056 = arith.constant 256 : i32
    %add3A_1057 = arith.addi %mul3A_2, %add3A_1056 : i32
    %dma_start3A_1058 = arith.constant 256 : i32
    %dma_start3A_1059 = arith.constant 0 : i32
    %dma_start3A_1060 = tpu.memref_slice %arg6[%dma_start3A_1058, %dma_start3A_1059] : memref<512x128xf32, #tpu.memory_space<vmem>> -> memref<128x128xf32, #tpu.memory_space<vmem>>
    %dma_start3A_1061 = arith.constant 0 : i32
    %dma_start3A_1062 = tpu.memref_slice %arg4[%add3A_1057, %dma_start3A_1061] : memref<16384x128xf32, #tpu.memory_space<hbm>> -> memref<128x128xf32, #tpu.memory_space<hbm>>
    %dma_start3A_1063 = arith.constant 0 : i32
    %dma_start3A_1064 = tpu.memref_slice %arg4[%add3A_1057, %dma_start3A_1063] : memref<16384x128xf32, #tpu.memory_space<hbm>> -> memref<128x128xf32, #tpu.memory_space<hbm>>
    %dma_start3A_1065 = arith.constant 256 : i32
    %dma_start3A_1066 = arith.constant 0 : i32
    %dma_start3A_1067 = tpu.memref_slice %arg6[%dma_start3A_1065, %dma_start3A_1066] : memref<512x128xf32, #tpu.memory_space<vmem>> -> memref<128x128xf32, #tpu.memory_space<vmem>>
    tpu.enqueue_dma source(%dma_start3A_1067 : memref<128x128xf32, #tpu.memory_space<vmem>>) target(%dma_start3A_1064 : memref<128x128xf32, #tpu.memory_space<hbm>>) target_semaphore(%arg8 : memref<!tpu.dma_semaphore, #tpu.memory_space<semaphore_mem>>)
    %dma_wait3A_1068 = arith.constant 384 : i32
    %dma_wait3A_1069 = arith.constant 0 : i32
    %dma_wait3A_1070 = tpu.memref_slice %arg6[%dma_wait3A_1068, %dma_wait3A_1069] : memref<512x128xf32, #tpu.memory_space<vmem>> -> memref<96x128xf32, #tpu.memory_space<vmem>>
    %dma_wait3A_1071 = arith.constant 384 : i32
    %dma_wait3A_1072 = tpu.memref_slice %arg5[%dma_wait3A_1071] : memref<512xi32, #tpu.memory_space<vmem>> -> memref<96xi32, #tpu.memory_space<vmem>>
    %dma_wait3A_1073 = arith.constant 0 : i32
    %dma_wait3A_1074 = arith.constant 0 : i32
    %dma_wait3A_1075 = tpu.memref_slice %arg3[%dma_wait3A_1073, %dma_wait3A_1074] : memref<100000x128xf32, #tpu.memory_space<hbm>> -> memref<100000x128xf32, #tpu.memory_space<hbm>>
    tpu.wait_indirect_dma semaphore(%arg7 : memref<!tpu.dma_semaphore, #tpu.memory_space<semaphore_mem>>) src(%dma_wait3A_1075 : memref<100000x128xf32, #tpu.memory_space<hbm>>) dst(%dma_wait3A_1070 : memref<96x128xf32, #tpu.memory_space<vmem>>)
    %add3A_1076 = arith.constant 384 : i32
    %add3A_1077 = arith.addi %mul3A_2, %add3A_1076 : i32
    %dma_start3A_1078 = arith.constant 384 : i32
    %dma_start3A_1079 = arith.constant 0 : i32
    %dma_start3A_1080 = tpu.memref_slice %arg6[%dma_start3A_1078, %dma_start3A_1079] : memref<512x128xf32, #tpu.memory_space<vmem>> -> memref<96x128xf32, #tpu.memory_space<vmem>>
    %dma_start3A_1081 = arith.constant 0 : i32
    %dma_start3A_1082 = tpu.memref_slice %arg4[%add3A_1077, %dma_start3A_1081] : memref<16384x128xf32, #tpu.memory_space<hbm>> -> memref<96x128xf32, #tpu.memory_space<hbm>>
    %dma_start3A_1083 = arith.constant 0 : i32
    %dma_start3A_1084 = tpu.memref_slice %arg4[%add3A_1077, %dma_start3A_1083] : memref<16384x128xf32, #tpu.memory_space<hbm>> -> memref<96x128xf32, #tpu.memory_space<hbm>>
    %dma_start3A_1085 = arith.constant 384 : i32
    %dma_start3A_1086 = arith.constant 0 : i32
    %dma_start3A_1087 = tpu.memref_slice %arg6[%dma_start3A_1085, %dma_start3A_1086] : memref<512x128xf32, #tpu.memory_space<vmem>> -> memref<96x128xf32, #tpu.memory_space<vmem>>
    tpu.enqueue_dma source(%dma_start3A_1087 : memref<96x128xf32, #tpu.memory_space<vmem>>) target(%dma_start3A_1084 : memref<96x128xf32, #tpu.memory_space<hbm>>) target_semaphore(%arg8 : memref<!tpu.dma_semaphore, #tpu.memory_space<semaphore_mem>>)
    %dma_wait3A_1088 = arith.constant 480 : i32
    %dma_wait3A_1089 = arith.constant 0 : i32
    %dma_wait3A_1090 = tpu.memref_slice %arg6[%dma_wait3A_1088, %dma_wait3A_1089] : memref<512x128xf32, #tpu.memory_space<vmem>> -> memref<32x128xf32, #tpu.memory_space<vmem>>
    %dma_wait3A_1091 = arith.constant 480 : i32
    %dma_wait3A_1092 = tpu.memref_slice %arg5[%dma_wait3A_1091] : memref<512xi32, #tpu.memory_space<vmem>> -> memref<32xi32, #tpu.memory_space<vmem>>
    %dma_wait3A_1093 = arith.constant 0 : i32
    %dma_wait3A_1094 = arith.constant 0 : i32
    %dma_wait3A_1095 = tpu.memref_slice %arg3[%dma_wait3A_1093, %dma_wait3A_1094] : memref<100000x128xf32, #tpu.memory_space<hbm>> -> memref<100000x128xf32, #tpu.memory_space<hbm>>
    tpu.wait_indirect_dma semaphore(%arg7 : memref<!tpu.dma_semaphore, #tpu.memory_space<semaphore_mem>>) src(%dma_wait3A_1095 : memref<100000x128xf32, #tpu.memory_space<hbm>>) dst(%dma_wait3A_1090 : memref<32x128xf32, #tpu.memory_space<vmem>>)
    %add3A_1096 = arith.constant 480 : i32
    %add3A_1097 = arith.addi %mul3A_2, %add3A_1096 : i32
    %dma_start3A_1098 = arith.constant 480 : i32
    %dma_start3A_1099 = arith.constant 0 : i32
    %dma_start3A_1100 = tpu.memref_slice %arg6[%dma_start3A_1098, %dma_start3A_1099] : memref<512x128xf32, #tpu.memory_space<vmem>> -> memref<32x128xf32, #tpu.memory_space<vmem>>
    %dma_start3A_1101 = arith.constant 0 : i32
    %dma_start3A_1102 = tpu.memref_slice %arg4[%add3A_1097, %dma_start3A_1101] : memref<16384x128xf32, #tpu.memory_space<hbm>> -> memref<32x128xf32, #tpu.memory_space<hbm>>
    %dma_start3A_1103 = arith.constant 0 : i32
    %dma_start3A_1104 = tpu.memref_slice %arg4[%add3A_1097, %dma_start3A_1103] : memref<16384x128xf32, #tpu.memory_space<hbm>> -> memref<32x128xf32, #tpu.memory_space<hbm>>
    %dma_start3A_1105 = arith.constant 480 : i32
    %dma_start3A_1106 = arith.constant 0 : i32
    %dma_start3A_1107 = tpu.memref_slice %arg6[%dma_start3A_1105, %dma_start3A_1106] : memref<512x128xf32, #tpu.memory_space<vmem>> -> memref<32x128xf32, #tpu.memory_space<vmem>>
    tpu.enqueue_dma source(%dma_start3A_1107 : memref<32x128xf32, #tpu.memory_space<vmem>>) target(%dma_start3A_1104 : memref<32x128xf32, #tpu.memory_space<hbm>>) target_semaphore(%arg8 : memref<!tpu.dma_semaphore, #tpu.memory_space<semaphore_mem>>)
    %dma_wait3A_1108 = arith.constant 0 : i32
    %dma_wait3A_1109 = arith.constant 0 : i32
    %dma_wait3A_1110 = tpu.memref_slice %arg6[%dma_wait3A_1108, %dma_wait3A_1109] : memref<512x128xf32, #tpu.memory_space<vmem>> -> memref<128x128xf32, #tpu.memory_space<vmem>>
    %dma_wait3A_1111 = arith.constant 0 : i32
    %dma_wait3A_1112 = tpu.memref_slice %arg4[%add3A_1017, %dma_wait3A_1111] : memref<16384x128xf32, #tpu.memory_space<hbm>> -> memref<128x128xf32, #tpu.memory_space<hbm>>
    %dma_wait3A_1113 = arith.constant 0 : i32
    %dma_wait3A_1114 = tpu.memref_slice %arg4[%add3A_1017, %dma_wait3A_1113] : memref<16384x128xf32, #tpu.memory_space<hbm>> -> memref<128x128xf32, #tpu.memory_space<hbm>>
    %dma_wait3A_1115 = arith.constant 0 : i32
    %dma_wait3A_1116 = arith.constant 0 : i32
    %dma_wait3A_1117 = tpu.memref_slice %arg6[%dma_wait3A_1115, %dma_wait3A_1116] : memref<512x128xf32, #tpu.memory_space<vmem>> -> memref<128x128xf32, #tpu.memory_space<vmem>>
    tpu.wait_dma2 semaphore(%arg8 : memref<!tpu.dma_semaphore, #tpu.memory_space<semaphore_mem>>) src(%dma_wait3A_1117 : memref<128x128xf32, #tpu.memory_space<vmem>>) dst(%dma_wait3A_1114 : memref<128x128xf32, #tpu.memory_space<hbm>>)
    %dma_wait3A_1118 = arith.constant 128 : i32
    %dma_wait3A_1119 = arith.constant 0 : i32
    %dma_wait3A_1120 = tpu.memref_slice %arg6[%dma_wait3A_1118, %dma_wait3A_1119] : memref<512x128xf32, #tpu.memory_space<vmem>> -> memref<128x128xf32, #tpu.memory_space<vmem>>
    %dma_wait3A_1121 = arith.constant 0 : i32
    %dma_wait3A_1122 = tpu.memref_slice %arg4[%add3A_1037, %dma_wait3A_1121] : memref<16384x128xf32, #tpu.memory_space<hbm>> -> memref<128x128xf32, #tpu.memory_space<hbm>>
    %dma_wait3A_1123 = arith.constant 0 : i32
    %dma_wait3A_1124 = tpu.memref_slice %arg4[%add3A_1037, %dma_wait3A_1123] : memref<16384x128xf32, #tpu.memory_space<hbm>> -> memref<128x128xf32, #tpu.memory_space<hbm>>
    %dma_wait3A_1125 = arith.constant 128 : i32
    %dma_wait3A_1126 = arith.constant 0 : i32
    %dma_wait3A_1127 = tpu.memref_slice %arg6[%dma_wait3A_1125, %dma_wait3A_1126] : memref<512x128xf32, #tpu.memory_space<vmem>> -> memref<128x128xf32, #tpu.memory_space<vmem>>
    tpu.wait_dma2 semaphore(%arg8 : memref<!tpu.dma_semaphore, #tpu.memory_space<semaphore_mem>>) src(%dma_wait3A_1127 : memref<128x128xf32, #tpu.memory_space<vmem>>) dst(%dma_wait3A_1124 : memref<128x128xf32, #tpu.memory_space<hbm>>)
    %dma_wait3A_1128 = arith.constant 256 : i32
    %dma_wait3A_1129 = arith.constant 0 : i32
    %dma_wait3A_1130 = tpu.memref_slice %arg6[%dma_wait3A_1128, %dma_wait3A_1129] : memref<512x128xf32, #tpu.memory_space<vmem>> -> memref<128x128xf32, #tpu.memory_space<vmem>>
    %dma_wait3A_1131 = arith.constant 0 : i32
    %dma_wait3A_1132 = tpu.memref_slice %arg4[%add3A_1057, %dma_wait3A_1131] : memref<16384x128xf32, #tpu.memory_space<hbm>> -> memref<128x128xf32, #tpu.memory_space<hbm>>
    %dma_wait3A_1133 = arith.constant 0 : i32
    %dma_wait3A_1134 = tpu.memref_slice %arg4[%add3A_1057, %dma_wait3A_1133] : memref<16384x128xf32, #tpu.memory_space<hbm>> -> memref<128x128xf32, #tpu.memory_space<hbm>>
    %dma_wait3A_1135 = arith.constant 256 : i32
    %dma_wait3A_1136 = arith.constant 0 : i32
    %dma_wait3A_1137 = tpu.memref_slice %arg6[%dma_wait3A_1135, %dma_wait3A_1136] : memref<512x128xf32, #tpu.memory_space<vmem>> -> memref<128x128xf32, #tpu.memory_space<vmem>>
    tpu.wait_dma2 semaphore(%arg8 : memref<!tpu.dma_semaphore, #tpu.memory_space<semaphore_mem>>) src(%dma_wait3A_1137 : memref<128x128xf32, #tpu.memory_space<vmem>>) dst(%dma_wait3A_1134 : memref<128x128xf32, #tpu.memory_space<hbm>>)
    %dma_wait3A_1138 = arith.constant 384 : i32
    %dma_wait3A_1139 = arith.constant 0 : i32
    %dma_wait3A_1140 = tpu.memref_slice %arg6[%dma_wait3A_1138, %dma_wait3A_1139] : memref<512x128xf32, #tpu.memory_space<vmem>> -> memref<96x128xf32, #tpu.memory_space<vmem>>
    %dma_wait3A_1141 = arith.constant 0 : i32
    %dma_wait3A_1142 = tpu.memref_slice %arg4[%add3A_1077, %dma_wait3A_1141] : memref<16384x128xf32, #tpu.memory_space<hbm>> -> memref<96x128xf32, #tpu.memory_space<hbm>>
    %dma_wait3A_1143 = arith.constant 0 : i32
    %dma_wait3A_1144 = tpu.memref_slice %arg4[%add3A_1077, %dma_wait3A_1143] : memref<16384x128xf32, #tpu.memory_space<hbm>> -> memref<96x128xf32, #tpu.memory_space<hbm>>
    %dma_wait3A_1145 = arith.constant 384 : i32
    %dma_wait3A_1146 = arith.constant 0 : i32
    %dma_wait3A_1147 = tpu.memref_slice %arg6[%dma_wait3A_1145, %dma_wait3A_1146] : memref<512x128xf32, #tpu.memory_space<vmem>> -> memref<96x128xf32, #tpu.memory_space<vmem>>
    tpu.wait_dma2 semaphore(%arg8 : memref<!tpu.dma_semaphore, #tpu.memory_space<semaphore_mem>>) src(%dma_wait3A_1147 : memref<96x128xf32, #tpu.memory_space<vmem>>) dst(%dma_wait3A_1144 : memref<96x128xf32, #tpu.memory_space<hbm>>)
    %dma_wait3A_1148 = arith.constant 480 : i32
    %dma_wait3A_1149 = arith.constant 0 : i32
    %dma_wait3A_1150 = tpu.memref_slice %arg6[%dma_wait3A_1148, %dma_wait3A_1149] : memref<512x128xf32, #tpu.memory_space<vmem>> -> memref<32x128xf32, #tpu.memory_space<vmem>>
    %dma_wait3A_1151 = arith.constant 0 : i32
    %dma_wait3A_1152 = tpu.memref_slice %arg4[%add3A_1097, %dma_wait3A_1151] : memref<16384x128xf32, #tpu.memory_space<hbm>> -> memref<32x128xf32, #tpu.memory_space<hbm>>
    %dma_wait3A_1153 = arith.constant 0 : i32
    %dma_wait3A_1154 = tpu.memref_slice %arg4[%add3A_1097, %dma_wait3A_1153] : memref<16384x128xf32, #tpu.memory_space<hbm>> -> memref<32x128xf32, #tpu.memory_space<hbm>>
    %dma_wait3A_1155 = arith.constant 480 : i32
    %dma_wait3A_1156 = arith.constant 0 : i32
    %dma_wait3A_1157 = tpu.memref_slice %arg6[%dma_wait3A_1155, %dma_wait3A_1156] : memref<512x128xf32, #tpu.memory_space<vmem>> -> memref<32x128xf32, #tpu.memory_space<vmem>>
    tpu.wait_dma2 semaphore(%arg8 : memref<!tpu.dma_semaphore, #tpu.memory_space<semaphore_mem>>) src(%dma_wait3A_1157 : memref<32x128xf32, #tpu.memory_space<vmem>>) dst(%dma_wait3A_1154 : memref<32x128xf32, #tpu.memory_space<hbm>>)
    return
  }
}

</mosaic_0001>

<sc_bundles>
// kernel: kernel.3.cloned.1.call-start
scs
__scs_entry_jumppad:
0x0: {  	(pc) =	sbr.rel $0x88, $3  }
0x1: {  	(tag) =	ssettag $0x0;
	lr =	simm.s32 $0x1  }
0x2: {  	[smem:$0x3F9F] =	sst lr;
	_ =	strace $0xD0000000  }
0x3: {  	_ = 	snop  }
0x4: {  	_ = 	snop  }
0x5: {  	_ = 	snop  }
0x6: {  	_ = 	snop  }
0x7: {  	_ = 	snop  }
__scs_overlays_trampoline_lowered:
0x8: {  	[smem:$0x3FAE] =	sst s0  }
0x9: {  	[smem:$0x3FAF] =	sst s1  }
0xa: {  	[smem:$0x3FB0] =	sst s2  }
0xb: {  	[smem:$0x3FB1] =	sst s3  }
0xc: {  	[smem:$0x3FB2] =	sst s4  }
0xd: {  	[smem:$0x3FB3] =	sst s5  }
0xe: {  	[smem:$0x3FB4] =	sst s6  }
0xf: {  	[smem:$0x3FB5] =	sst s7  }
0x10: {  	[smem:$0x3FB6] =	sst s8  }
0x11: {  	[smem:$0x3FB7] =	sst s9;
	s0 =	simm.s32 @!p0 $0x0  }
0x12: {  	s1 =	sld [smem:$0x3F9D];
	s0 =	simm.s32 @p0 $0x1  }
0x13: {  	[smem:$0x3FB8] =	sst s0;
	s0 =	simm.s32 @!p1 $0x0  }
0x14: {  	s2 =	sld [smem:$0x3F9C];
	s0 =	simm.s32 @p1 $0x1  }
0x15: {  	[smem:$0x3FB9] =	sst s0;
	s0 =	simm.s32 @!p2 $0x0  }
0x16: {  	s3 =	sld [smem:$0x3FDB];
	s0 =	simm.s32 @p2 $0x1  }
0x17: {  	s4 =	simm.s32 $0x1BF5;
	[smem:$0x3FBB] =	sst s0  }
0x18: {  	s0 =	sld [smem:$0x3F9E];
	_ =	swait.ge [sflag:s4], $0x0  }
0x19: {  	s7 =	sld [smem:$0x3F9F]  }
0x1a: {  	s8 =	sadd.s32 $0xFFFFE003, lr  }
0x1b: {  	s9 =	sadd.s32 $0xFFFFFEF7, lr;
	s5 =	simm.s32 $0xFFFFFFFF;
	p2 =	slt.u32 s8, $0xFFFFF086  }
0x1c: {  	p1 =	slt.u32 s9, $0xF7A;
	s5 =	simm.s32 @!p2 $0x0  }
0x1d: {  	s5 =	simm.s32 @p1 $0x1;
	p0 =	seq.s32 s7, s2  }
0x1e: {  	s7 =	smul.u32 @!p0 $0xF7A, s2;
	p2 =	seq.s32 @!p0 s5, $0x0  }
0x1f: {  	s9 =	smul.u32 $0xF7A, s1;
	s8 =	simm.s32 @!p0 $0x1BF5;
	p2 =	por !p2, p0  }
0x20: {  	[sflag:s8] =	ssyncset.s32 @!p0 $0xFFFFF086;
	s6 =	sadd.s32 @!p0 s3, s7;
	s7 =	simm.s32 @!p0 $0x108  }
0x21: {  	s3 =	sadd.s32 s3, s9;
	s6 =	sadd.s32 @!p0 $0x88, s6;
	s7 =	simm.s32 @p2 $0x1082  }
0x22: {  	[simem:s7], [sflag:s8] =	dma.local @!p0 [hbm:s6], $0xF7A  }
0x23: {  	s9 =	sor.u32 $0xD0000000, s2;
	s6 =	simm.s32 $0x108;
	_ =	swait.ge @!p0 [sflag:s8], $0x0  }
0x24: {  	s3 =	sadd.s32 $0x88, s3;
	s6 =	simm.s32 @!p1 $0x1082;
	[sflag:s4] =	ssyncset.s32 $0xFFFFF086  }
0x25: {  	[simem:s6], [sflag:s4] =	dma.local [hbm:s3], $0xF7A  }
0x26: {  	[smem:$0x3F9F] =	sst s1;
	(tag) =	ssettag s2;
	_ =	strace s9  }
0x27: {  	s1 =	sld [smem:$0x3FAF]  }
0x28: {  	s2 =	sld [smem:$0x3FB0]  }
0x29: {  	s4 =	sld [smem:$0x3FB2]  }
0x2a: {  	p0 =	seq.s32 s5, $0x0;
	s5 =	sld [smem:$0x3FB3]  }
0x2b: {  	s6 =	sld [smem:$0x3FB4]  }
0x2c: {  	s7 =	sld [smem:$0x3FB5]  }
0x2d: {  	s3 =	simm.s32 $0x108;
	s8 =	sld [smem:$0x3FB6]  }
0x2e: {  	s3 =	simm.s32 @!p0 $0x1082;
	s9 =	sld [smem:$0x3FB7]  }
0x2f: {  	lr =	sadd.s32 s0, s3;
	s0 =	sld [smem:$0x3FAE]  }
0x30: {  	s3 =	sld [smem:$0x3FB1]  }
0x31: {  	[smem:$0x3FBA] =	sst s10  }
0x32: {  	s10 =	sld [smem:$0x3FB8];
	_ =	sdelay $0x3  }
0x33: {  	p0 =	seq.s32 s10, $0x1;
	s10 =	sld [smem:$0x3FBA];
	_ =	sdelay $0x3  }
0x34: {  	[smem:$0x3FBA] =	sst s10  }
0x35: {  	s10 =	sld [smem:$0x3FB9];
	_ =	sdelay $0x3  }
0x36: {  	p1 =	seq.s32 s10, $0x1;
	s10 =	sld [smem:$0x3FBA];
	_ =	sdelay $0x3  }
0x37: {  	[smem:$0x3FBA] =	sst s10  }
0x38: {  	s10 =	sld [smem:$0x3FBB]  }
0x39: {  	_ = 	snop;
	(pc) =	sbr.ind lr, $3  }
0x3a: {  	_ = 	snop  }
0x3b: {  	_ = 	snop  }
0x3c: {  	p2 =	seq.s32 s10, $0x1;
	s10 =	sld [smem:$0x3FBA]  }
0x3d: {  	_ =	shalt  }
0x3e: {  	_ =	shalt  }
0x3f: {  	_ =	shalt  }
0x40: {  	_ =	shalt  }
0x41: {  	_ =	shalt  }
0x42: {  	_ =	shalt  }
0x43: {  	_ =	shalt  }
0x44: {  	_ =	shalt  }
0x45: {  	_ =	shalt  }
0x46: {  	_ =	shalt  }
0x47: {  	_ =	shalt  }
0x48: {  	_ =	shalt  }
0x49: {  	_ =	shalt  }
0x4a: {  	_ =	shalt  }
0x4b: {  	_ =	shalt  }
0x4c: {  	_ =	shalt  }
0x4d: {  	_ =	shalt  }
0x4e: {  	_ =	shalt  }
0x4f: {  	_ =	shalt  }
0x50: {  	_ =	shalt  }
0x51: {  	_ =	shalt  }
0x52: {  	_ =	shalt  }
0x53: {  	_ =	shalt  }
0x54: {  	_ =	shalt  }
0x55: {  	_ =	shalt  }
0x56: {  	_ =	shalt  }
0x57: {  	_ =	shalt  }
0x58: {  	_ =	shalt  }
0x59: {  	_ =	shalt  }
0x5a: {  	_ =	shalt  }
0x5b: {  	_ =	shalt  }
0x5c: {  	_ =	shalt  }
0x5d: {  	_ =	shalt  }
0x5e: {  	_ =	shalt  }
0x5f: {  	_ =	shalt  }
0x60: {  	_ =	shalt  }
0x61: {  	_ =	shalt  }
0x62: {  	_ =	shalt  }
0x63: {  	_ =	shalt  }
0x64: {  	_ =	shalt  }
0x65: {  	_ =	shalt  }
0x66: {  	_ =	shalt  }
0x67: {  	_ =	shalt  }
0x68: {  	_ =	shalt  }
0x69: {  	_ =	shalt  }
0x6a: {  	_ =	shalt  }
0x6b: {  	_ =	shalt  }
0x6c: {  	_ =	shalt  }
0x6d: {  	_ =	shalt  }
0x6e: {  	_ =	shalt  }
0x6f: {  	_ =	shalt  }
0x70: {  	_ =	shalt  }
0x71: {  	_ =	shalt  }
0x72: {  	_ =	shalt  }
0x73: {  	_ =	shalt  }
0x74: {  	_ =	shalt  }
0x75: {  	_ =	shalt  }
0x76: {  	_ =	shalt  }
0x77: {  	_ =	shalt  }
0x78: {  	_ =	shalt  }
0x79: {  	_ =	shalt  }
0x7a: {  	_ =	shalt  }
0x7b: {  	_ =	shalt  }
0x7c: {  	_ =	shalt  }
0x7d: {  	_ =	shalt  }
0x7e: {  	_ =	shalt  }
0x7f: {  	_ =	shalt  }
0x80: {  	_ =	shalt  }
0x81: {  	_ =	shalt  }
0x82: {  	_ =	shalt  }
0x83: {  	_ =	shalt  }
0x84: {  	_ =	shalt  }
0x85: {  	_ =	shalt  }
0x86: {  	_ =	shalt  }
0x87: {  	_ =	shalt  }
.Lfunc_end0:
.L_simem_size_0:
called_computation_lowered:
.L_overlay_start_0:
0x88: {  	s2 =	sld [smem:$0x3FD9]  }
0x89: {  	s3 =	sld [smem:$0x3FFE];
	_ =	sdelay $0x1  }
0x8a: {  	s1 =	srdreg.scid  }
0x8b: {  	s0 =	sand.u32 $0x1, s1  }
0x8c: {  	s18 =	sshll.u32 s0, $0xA;
	s2 =	sadd.s32 s3, s2  }
0x8d: {  	s2 =	sadd.s32 s2, s18  }
0x8e: {  	[smem:$0x3FC6] =	sst s2  }
0x8f: {  	_ = 	snop  }
0x90: {  	s2 =	sld [smem:$0x3FC9]  }
0x91: {  	s19 =	sld [smem:$0x3FC8]  }
0x92: {  	s4 =	sld [smem:$0x3FD0];
	(tm) =	ssettm $0x1  }
0x93: {  	s5 =	sld [smem:$0x3FFB];
	_ =	sdelay $0x3  }
0x94: {  	_ =	strace s5  }
0x95: {  	s5 =	sld [smem:$0x3FFC];
	_ =	sdelay $0x3  }
0x96: {  	_ =	strace s5  }
0x97: {  	s5 =	sld [smem:$0x3FFD];
	_ =	sdelay $0x3  }
0x98: {  	_ =	strace s5  }
0x99: {  	_ =	strace $0x8FFFFFFF  }
0x9a: {  	s20 =	sld [smem:$0x3FDB];
	_ =	sdelay $0x1  }
0x9b: {  	s6 =	simm.s32 $_scs_section_size  }
0x9c: {  	s7 =	simm.s32 $_size__tile_overlayer_lowered;
	s8 =	simm.s32 $_tile_overlayer_lowered  }
0x9d: {  	s23 =	simm.s32 $0x1BFF;
	s22 =	sshll.u32 s8, $0x1;
	s5 =	sadd.s32 s6, s20  }
0x9e: {  	s9 =	simm.s32 $0x0;
	s21 =	sshll.u32 s7, $0x1;
	s7 =	sadd.s32 s22, s5  }
0x9f: {  	[timem:s9], [sflag:s23] =	dma.local [hbm:s7], s21  }
0xa0: {  	_ =	swait.ge [sflag:s23], s21  }
0xa1: {  	s6 =	ssub.s32 $0x0, s21;
	[sflag:s23] =	ssyncset.done $0x0  }
0xa2: {  	[sflag:s23] =	ssyncadd.s32 s6;
	_ =	sdelay $0x1  }
0xa3: {  	s24 =	simm.s32 $0x1B8B  }
0xa4: {  	_ =	swait.ge [sflag:s24], $0x1  }
0xa5: {  	[sflag:s24] =	ssyncset.done $0x0  }
0xa6: {  	s25 =	simm.s32 $0x1B8E;
	[sflag:s24] =	ssyncadd.s32 $0xFFFFFFFF  }
0xa7: {  	s26 =	simm.s32 $execute0_lowered;
	[smem:$0x3FD2] =	sst s25  }
0xa8: {  	s6 =	sshll.u32 s26, $0x1;
	_ =	strace $0x80000046;
	[dreg:$0x1] =	wrdreg $0xFFFFFFFF  }
0xa9: {  	s28 =	simm.s32 $_size_execute0_lowered;
	s5 =	sadd.s32 s5, s6;
	[dreg:$0x0] =	wrdreg $0x0  }
0xaa: {  	s6 =	sshll.u32 s28, $0x1;
	[dreg:$0x2] =	wrdreg s5  }
0xab: {  	[dreg:$0x3] =	wrdreg s6  }
0xac: {  	[dreg:$0x4] =	wrdreg $0xC0  }
0xad: {  	_ =	task [dreg:s9], $0x5FFFF  }
0xae: {  	[dreg:$0x1] =	wrdreg $0xFFFFFFFF  }
0xaf: {  	[dreg:$0x0] =	wrdreg $0x60  }
0xb0: {  	[dreg:$0x2] =	wrdreg s2  }
0xb1: {  	[dreg:$0x3] =	wrdreg s19  }
0xb2: {  	[dreg:$0x4] =	wrdreg s4  }
0xb3: {  	[dreg:$0x5] =	wrdreg $0x9  }
0xb4: {  	_ =	task.clear_ibuf [dreg:s9], $0x6FFFF;
	_ =	strace $0x90000046  }
0xb5: {  	s29 =	simm.s32 $0x9;
	_ =	strace $0x80000048  }
0xb6: {  	_ =	swait.ge [sflag:s29], $0x1  }
0xb7: {  	[sflag:s29] =	ssyncadd.s32 $0xFFFFFFFF  }
0xb8: {  	_ =	strace $0x90000048  }
0xb9: {  	_ =	sfence  }
0xba: {  	s30 =	sld [smem:$0x0];
	_ =	sdelay $0x2  }
0xbb: {  	s31 =	sshll.u32 s1, $0xD;
	s1 =	sshrl.u32 s1, $0x2  }
0xbc: {  	s3 =	sand.u32 $0x4000, s31;
	s1 =	sadd.s32 s1, s30  }
0xbd: {  	s0 =	sor.u32 s3, s0;
	s1 =	sshll.u32 s1, $0x11  }
0xbe: {  	s0 =	sor.u32 s1, s0  }
0xbf: {  	s0 =	sadd.s32 $0x8F2B, s0  }
0xc0: {  	[sflag:s0] =	ssyncadd.remote.s32 $0x1  }
0xc1: {  	_ =	sfence.sel $0xFFFF  }
0xc2: {  	[dreg:$0x0] =	wrdreg $0xFFFFFFFF;
	(pc) =	sbr.abs _section_cstart, $3  }
0xc3: {  	[dreg:$0x1] =	wrdreg $0xFFFFFFFF  }
0xc4: {  	_ =	task.clear_ibuf [dreg:s9], $0x2FFFF;
	_ =	strace $0x9FFFFFFF  }
0xc5: {  	(tm) =	ssettm $0x7FFFFFFF  }
tec
execute0_lowered:
.L_overlay_start_1:
0x0: {  	(tag) =	ssettag $0x1  }
0x1: {  	s6 =	rddreg [dreg:$0x0]  }
0x2: {  	s1 =	rddreg [dreg:$0x1]  }
0x3: {  	s7 =	rddreg [dreg:$0x2]  }
0x4: {  	s0 =	rddreg [dreg:$0x3];
	s4 =	srdreg.scid  }
0x5: {  	s3 =	simm.s32 $0x0;
	s2 =	stileid.u32;
	s12 =	simm.s32 $0x4  }
0x6: {  	s13 =	simm.s32 $0x80;
	s14 =	simm.s32 $0x200;
	s15 =	simm.s32 $0x3  }
0x7: {  	s16 =	simm.s32 $0x4200;
	s17 =	simm.s32 $0x100;
	s18 =	simm.s32 $0x8200  }
0x8: {  	s19 =	simm.s32 $0x60;
	s20 =	simm.s32 $0x180;
	s21 =	simm.s32 $0xC200  }
0x9: {  	s22 =	simm.s32 $0x20;
	s23 =	simm.s32 $0x1E0;
	s24 =	simm.s32 $0xF200  }
0xa: {  	s25 =	simm.s32 $0x1;
	s26 =	simm.s32 $0x2;
	s4 =	sand.u32 $0x1, s4  }
0xb: {  	s8 =	sshll.u32 s2, $0xA;
	s5 =	ssub.s32 $0x2, s4;
	s4 =	sshll.u32 s4, $0x9  }
0xc: {  	[smem:$0x7FF] =	sst s3;
	s9 =	sshrl.u32 s5, $0x1;
	s8 =	sor.u32 s4, s8  }
0xd: {  	_ =	strace $0x80000047;
	s11 =	ssub.s32 s5, s9;
	s4 =	sshrl.u32 s8, $0x3  }
0xe: {  	s29 =	sor.u32 $0x80, s8;
	s30 =	sshll.u32 s8, $0x4;
	s4 =	sadd.s32 s6, s4  }
0xf: {  	s31 =	sshrl.u32 s29, $0x3;
	s5 =	sadd.s32 s7, s30;
	s9 =	sshll.u32 s29, $0x4  }
0x10: {  	s11 =	smax.u32 s11, $0x1;
	s6 =	sadd.s32 s6, s31;
	s7 =	sadd.s32 s7, s9  }
0x11: {  	s8 =	sadd.s32 $0x1000, s5;
	s9 =	sadd.s32 $0x1800, s5;
	s10 =	sadd.s32 $0x1E00, s5  }
.LBB2_1:
0x12: {  	[tilespmem:s3], [sflag:$0x4] =	stream.linear.gather [hbm4b:s4+s3], $0x80, $0x38;
	[tilespmem:$0x10200] =	vst v63  }
0x13: {  	_ =	swait.ge [sflag:s12], $0x80  }
0x14: {  	[sflag:s12] =	ssyncset.done $0x0  }
0x15: {  	[sflag:s12] =	ssyncadd.s32 $0xFFFFFF80  }
0x16: {  	[tilespmem:s13], [sflag:$0x3] =	stream.linear.gather [hbm4b:s6+s3], $0x180, $0x38;
	[tilespmem:$0x10200] =	vst v63  }
0x17: {  	v0 =	vld [tilespmem:$0x0]  }
0x18: {  	v1 =	vld [tilespmem:$0x10]  }
0x19: {  	v4 =	vld [tilespmem:$0x20]  }
0x1a: {  	v5 =	vld [tilespmem:$0x30]  }
0x1b: {  	v7 =	vld [tilespmem:$0x40]  }
0x1c: {  	v24 =	vld [tilespmem:$0x50]  }
0x1d: {  	v28 =	vld [tilespmem:$0x60]  }
0x1e: {  	v10 =	vld [tilespmem:$0x70];
	v2 =	vcvt.s32.f32 v0  }
0x1f: {  	v3 =	vcvt.s32.f32 v1;
	v21 =	vcvt.s32.f32 v4  }
0x20: {  	v23 =	vcvt.s32.f32 v5;
	v9 =	vcvt.s32.f32 v7  }
0x21: {  	v29 =	vcvt.s32.f32 v24;
	v2 =	vmul.f32 $9.999999740e-06, v2  }
0x22: {  	v31 =	vcvt.s32.f32 v28;
	v3 =	vmul.f32 $9.999999740e-06, v3  }
0x23: {  	v33 =	vcvt.s32.f32 v10;
	v2 =	vtrunc.f32 v2  }
0x24: {  	v3 =	vtrunc.f32 v3;
	v2 =	vcvt.f32.s32 v2  }
0x25: {  	v20 =	vcvt.f32.s32 v3;
	v3 =	vmul.f32 $9.999999740e-06, v21  }
0x26: {  	v25 =	vmul.f32 $9.999999740e-06, v9;
	v9 =	vmul.f32 $9.999999740e-06, v29;
	v2 =	vmul.u32 $0xFFFE7960, v2  }
0x27: {  	v22 =	vtrunc.f32 v3;
	v3 =	vmul.f32 $9.999999740e-06, v23  }
0x28: {  	v30 =	vtrunc.f32 v9;
	v0 =	vadd.s32 v0, v2;
	v2 =	vmul.u32 $0xFFFE7960, v20  }
0x29: {  	v3 =	vtrunc.f32 v3;
	vm0 =	vlt.s32 v0, $0x0;
	v6 =	vadd.s32 $0x186A0, v0  }
0x2a: {  	v3 =	vcvt.f32.s32 v3;
	v0 =	vsel vm0, v6, v0;
	v1 =	vadd.s32 v1, v2  }
0x2b: {  	v2 =	vcvt.f32.s32 v22;
	vm0 =	vgt.s32 v0, $0x1869F;
	v6 =	vadd.s32 $0xFFFE7960, v0  }
0x2c: {  	vm1 =	vlt.s32 v1, $0x0;
	v8 =	vadd.s32 $0x186A0, v1;
	v3 =	vmul.u32 $0xFFFE7960, v3  }
0x2d: {  	v0 =	vsel vm0, v6, v0;
	v1 =	vsel vm1, v8, v1;
	v2 =	vmul.u32 $0xFFFE7960, v2  }
0x2e: {  	v8 =	vtrunc.f32 v25;
	vm7 =	vgt.s32 v1, $0x1869F;
	v26 =	vadd.s32 $0xFFFE7960, v1  }
0x2f: {  	v27 =	vcvt.f32.s32 v8;
	v3 =	vadd.s32 v5, v3;
	v2 =	vadd.s32 v4, v2  }
0x30: {  	v1 =	vsel vm7, v26, v1;
	vm10 =	vlt.s32 v3, $0x0;
	v5 =	vadd.s32 $0x186A0, v3  }
0x31: {  	vm8 =	vlt.s32 v2, $0x0;
	v4 =	vadd.s32 $0x186A0, v2;
	v3 =	vsel vm10, v5, v3  }
0x32: {  	v5 =	vcvt.f32.s32 v30;
	v2 =	vsel vm8, v4, v2;
	v4 =	vmul.u32 $0xFFFE7960, v27  }
0x33: {  	vm1 =	vgt.s32 v3, $0x1869F;
	v34 =	vadd.s32 $0xFFFE7960, v3;
	vm9 =	vgt.s32 v2, $0x1869F  }
0x34: {  	v11 =	vadd.s32 $0xFFFE7960, v2;
	v5 =	vmul.u32 $0xFFFE7960, v5;
	v3 =	vsel vm1, v34, v3  }
0x35: {  	v2 =	vsel vm9, v11, v2;
	v4 =	vadd.s32 v7, v4;
	v7 =	vmul.f32 $9.999999740e-06, v31  }
0x36: {  	v11 =	vmul.f32 $9.999999740e-06, v33;
	vm11 =	vlt.s32 v4, $0x0;
	v32 =	vadd.s32 $0x186A0, v4  }
0x37: {  	v5 =	vadd.s32 v24, v5;
	v4 =	vsel vm11, v32, v4;
	v7 =	vtrunc.f32 v7  }
0x38: {  	v36 =	vtrunc.f32 v11;
	vm12 =	vlt.s32 v5, $0x0;
	v35 =	vcvt.f32.s32 v7  }
0x39: {  	v37 =	vadd.s32 $0x186A0, v5;
	vm0 =	vgt.s32 v4, $0x1869F;
	v7 =	vcvt.f32.s32 v36  }
0x3a: {  	v38 =	vadd.s32 $0xFFFE7960, v4;
	v5 =	vsel vm12, v37, v5;
	v6 =	vmul.u32 $0xFFFE7960, v35  }
0x3b: {  	[tilespmem:$0x0] =	vst v0;
	vm1 =	vgt.s32 v5, $0x1869F;
	v39 =	vadd.s32 $0xFFFE7960, v5;
	v7 =	vmul.u32 $0xFFFE7960, v7  }
0x3c: {  	[tilespmem:$0x10] =	vst v1;
	v40 =	vsel vm0, v38, v4;
	v0 =	vsel vm1, v39, v5;
	v41 =	vadd.s32 v28, v6  }
0x3d: {  	[tilespmem:$0x30] =	vst v3;
	v43 =	vadd.s32 v10, v7;
	vm13 =	vlt.s32 v41, $0x0;
	v42 =	vadd.s32 $0x186A0, v41  }
0x3e: {  	[tilespmem:$0x20] =	vst v2;
	vm14 =	vlt.s32 v43, $0x0;
	v44 =	vadd.s32 $0x186A0, v43;
	v2 =	vsel vm13, v42, v41  }
0x3f: {  	[tilespmem:$0x40] =	vst v40;
	v3 =	vsel vm14, v44, v43;
	vm15 =	vgt.s32 v2, $0x1869F;
	v45 =	vadd.s32 $0xFFFE7960, v2  }
0x40: {  	[tilespmem:$0x50] =	vst v0;
	vm0 =	vgt.s32 v3, $0x1869F;
	v47 =	vadd.s32 $0xFFFE7960, v3;
	v46 =	vsel vm15, v45, v2  }
0x41: {  	v48 =	vsel vm0, v47, v3;
	[tilespmem:$0x60] =	vst v46  }
0x42: {  	[tilespmem:$0x70] =	vst v48  }
0x43: {  	[tilespmem:s14], [sflag:$0x1] =	stream.indirect.gather [hbm4b:s1+s13], $0x80, s3, s13, $0xb8;
	[tilespmem:$0x10200] =	vst v63  }
0x44: {  	_ =	swait.ge [sflag:s15], $0x180  }
0x45: {  	[sflag:s15] =	ssyncset.done $0x0  }
0x46: {  	[sflag:s15] =	ssyncadd.s32 $0xFFFFFE80  }
0x47: {  	v49 =	vld [tilespmem:$0x80]  }
0x48: {  	v50 =	vld [tilespmem:$0x90]  }
0x49: {  	v53 =	vld [tilespmem:$0xA0]  }
0x4a: {  	v54 =	vld [tilespmem:$0xB0]  }
0x4b: {  	v58 =	vld [tilespmem:$0xC0]  }
0x4c: {  	v63 =	vld [tilespmem:$0xD0]  }
0x4d: {  	v15 =	vld [tilespmem:$0xE0]  }
0x4e: {  	v17 =	vld [tilespmem:$0xF0]  }
0x4f: {  	v51 =	vcvt.s32.f32 v49  }
0x50: {  	v52 =	vcvt.s32.f32 v50;
	v56 =	vcvt.s32.f32 v53  }
0x51: {  	v60 =	vcvt.s32.f32 v54;
	v62 =	vcvt.s32.f32 v58  }
0x52: {  	v16 =	vcvt.s32.f32 v63;
	v20 =	vcvt.s32.f32 v15  }
0x53: {  	v22 =	vcvt.s32.f32 v17;
	v2 =	vmul.f32 $9.999999740e-06, v51  }
0x54: {  	v3 =	vmul.f32 $9.999999740e-06, v52;
	v12 =	vmul.f32 $9.999999740e-06, v62  }
0x55: {  	v9 =	vmul.f32 $9.999999740e-06, v16;
	v7 =	vmul.f32 $9.999999740e-06, v20  }
0x56: {  	v11 =	vmul.f32 $9.999999740e-06, v22;
	v2 =	vtrunc.f32 v2  }
0x57: {  	v3 =	vtrunc.f32 v3;
	v7 =	vtrunc.f32 v7  }
0x58: {  	v25 =	vtrunc.f32 v11;
	v2 =	vcvt.f32.s32 v2  }
0x59: {  	v55 =	vcvt.f32.s32 v3;
	v3 =	vmul.f32 $9.999999740e-06, v56  }
0x5a: {  	v24 =	vcvt.f32.s32 v7;
	v7 =	vcvt.f32.s32 v25  }
0x5b: {  	v8 =	vtrunc.f32 v12;
	v19 =	vtrunc.f32 v9;
	v2 =	vmul.u32 $0xFFFE7960, v2  }
0x5c: {  	v59 =	vtrunc.f32 v3;
	v3 =	vmul.f32 $9.999999740e-06, v60;
	v7 =	vmul.u32 $0xFFFE7960, v7  }
0x5d: {  	v14 =	vcvt.f32.s32 v8;
	v0 =	vadd.s32 v49, v2;
	v2 =	vmul.u32 $0xFFFE7960, v55  }
0x5e: {  	v3 =	vtrunc.f32 v3;
	v32 =	vadd.s32 v17, v7;
	vm4 =	vlt.s32 v0, $0x0  }
0x5f: {  	v57 =	vadd.s32 $0x186A0, v0;
	v3 =	vcvt.f32.s32 v3;
	vm13 =	vlt.s32 v32, $0x0  }
0x60: {  	v33 =	vadd.s32 $0x186A0, v32;
	v0 =	vsel vm4, v57, v0;
	v1 =	vadd.s32 v50, v2  }
0x61: {  	v2 =	vcvt.f32.s32 v59;
	vm0 =	vgt.s32 v0, $0x1869F;
	v6 =	vadd.s32 $0xFFFE7960, v0  }
0x62: {  	vm5 =	vlt.s32 v1, $0x0;
	v61 =	vadd.s32 $0x186A0, v1;
	v3 =	vmul.u32 $0xFFFE7960, v3  }
0x63: {  	v0 =	vsel vm0, v6, v0;
	v1 =	vsel vm5, v61, v1;
	v2 =	vmul.u32 $0xFFFE7960, v2  }
0x64: {  	v6 =	vmul.u32 $0xFFFE7960, v24;
	vm6 =	vgt.s32 v1, $0x1869F;
	v13 =	vadd.s32 $0xFFFE7960, v1  }
0x65: {  	v3 =	vadd.s32 v54, v3;
	v2 =	vadd.s32 v53, v2;
	v1 =	vsel vm6, v13, v1  }
0x66: {  	vm9 =	vlt.s32 v3, $0x0;
	v5 =	vadd.s32 $0x186A0, v3;
	v30 =	vadd.s32 v15, v6  }
0x67: {  	vm7 =	vlt.s32 v2, $0x0;
	v4 =	vadd.s32 $0x186A0, v2;
	v3 =	vsel vm9, v5, v3  }
0x68: {  	v5 =	vcvt.f32.s32 v19;
	vm12 =	vlt.s32 v30, $0x0;
	v31 =	vadd.s32 $0x186A0, v30  }
0x69: {  	v2 =	vsel vm7, v4, v2;
	v4 =	vmul.u32 $0xFFFE7960, v14;
	vm1 =	vgt.s32 v3, $0x1869F  }
0x6a: {  	v23 =	vadd.s32 $0xFFFE7960, v3;
	vm8 =	vgt.s32 v2, $0x1869F;
	v18 =	vadd.s32 $0xFFFE7960, v2  }
0x6b: {  	v5 =	vmul.u32 $0xFFFE7960, v5;
	v3 =	vsel vm1, v23, v3;
	v4 =	vadd.s32 v58, v4  }
0x6c: {  	v2 =	vsel vm8, v18, v2;
	[tilespmem:$0xB0] =	vst v3;
	v3 =	vsel vm13, v33, v32;
	vm10 =	vlt.s32 v4, $0x0  }
0x6d: {  	v21 =	vadd.s32 $0x186A0, v4;
	v5 =	vadd.s32 v63, v5;
	[tilespmem:$0xA0] =	vst v2;
	v2 =	vsel vm12, v31, v30  }
0x6e: {  	v4 =	vsel vm10, v21, v4;
	vm11 =	vlt.s32 v5, $0x0;
	v26 =	vadd.s32 $0x186A0, v5  }
0x6f: {  	[tilespmem:$0x80] =	vst v0;
	vm14 =	vgt.s32 v2, $0x1869F;
	v34 =	vadd.s32 $0xFFFE7960, v2;
	vm0 =	vgt.s32 v4, $0x1869F  }
0x70: {  	[tilespmem:$0x90] =	vst v1;
	v27 =	vadd.s32 $0xFFFE7960, v4;
	v5 =	vsel vm11, v26, v5;
	v35 =	vsel vm14, v34, v2  }
0x71: {  	vm1 =	vgt.s32 v5, $0x1869F;
	v28 =	vadd.s32 $0xFFFE7960, v5;
	v29 =	vsel vm0, v27, v4;
	[tilespmem:$0xE0] =	vst v35  }
0x72: {  	v36 =	vadd.s32 $0xFFFE7960, v3;
	vm0 =	vgt.s32 v3, $0x1869F;
	v0 =	vsel vm1, v28, v5;
	[tilespmem:$0xC0] =	vst v29  }
0x73: {  	v37 =	vsel vm0, v36, v3;
	[tilespmem:$0xD0] =	vst v0  }
0x74: {  	[tilespmem:$0xF0] =	vst v37  }
0x75: {  	[tilespmem:s16], [sflag:$0x1] =	stream.indirect.gather [hbm4b:s1+s13], $0x80, s13, s13, $0xb8;
	[tilespmem:$0x10200] =	vst v63  }
0x76: {  	v38 =	vld [tilespmem:$0x100]  }
0x77: {  	v39 =	vld [tilespmem:$0x110]  }
0x78: {  	v42 =	vld [tilespmem:$0x120]  }
0x79: {  	v43 =	vld [tilespmem:$0x130]  }
0x7a: {  	v47 =	vld [tilespmem:$0x140]  }
0x7b: {  	v52 =	vld [tilespmem:$0x150]  }
0x7c: {  	v56 =	vld [tilespmem:$0x160]  }
0x7d: {  	v58 =	vld [tilespmem:$0x170]  }
0x7e: {  	v40 =	vcvt.s32.f32 v38  }
0x7f: {  	v41 =	vcvt.s32.f32 v39;
	v45 =	vcvt.s32.f32 v42  }
0x80: {  	v49 =	vcvt.s32.f32 v43;
	v51 =	vcvt.s32.f32 v47  }
0x81: {  	v57 =	vcvt.s32.f32 v52;
	v61 =	vcvt.s32.f32 v56  }
0x82: {  	v63 =	vcvt.s32.f32 v58;
	v2 =	vmul.f32 $9.999999740e-06, v40  }
0x83: {  	v3 =	vmul.f32 $9.999999740e-06, v41;
	v53 =	vmul.f32 $9.999999740e-06, v51  }
0x84: {  	v9 =	vmul.f32 $9.999999740e-06, v57;
	v7 =	vmul.f32 $9.999999740e-06, v61  }
0x85: {  	v11 =	vmul.f32 $9.999999740e-06, v63;
	v2 =	vtrunc.f32 v2  }
0x86: {  	v3 =	vtrunc.f32 v3;
	v7 =	vtrunc.f32 v7  }
0x87: {  	v14 =	vtrunc.f32 v11;
	v2 =	vcvt.f32.s32 v2  }
0x88: {  	v44 =	vcvt.f32.s32 v3;
	v3 =	vmul.f32 $9.999999740e-06, v45  }
0x89: {  	v13 =	vcvt.f32.s32 v7;
	v7 =	vcvt.f32.s32 v14  }
0x8a: {  	v8 =	vtrunc.f32 v53;
	v60 =	vtrunc.f32 v9;
	v2 =	vmul.u32 $0xFFFE7960, v2  }
0x8b: {  	v48 =	vtrunc.f32 v3;
	v3 =	vmul.f32 $9.999999740e-06, v49;
	v7 =	vmul.u32 $0xFFFE7960, v7  }
0x8c: {  	v55 =	vcvt.f32.s32 v8;
	v0 =	vadd.s32 v38, v2;
	v2 =	vmul.u32 $0xFFFE7960, v44  }
0x8d: {  	v3 =	vtrunc.f32 v3;
	v21 =	vadd.s32 v58, v7;
	vm15 =	vlt.s32 v0, $0x0  }
0x8e: {  	v46 =	vadd.s32 $0x186A0, v0;
	v3 =	vcvt.f32.s32 v3;
	vm14 =	vlt.s32 v21, $0x0  }
0x8f: {  	v22 =	vadd.s32 $0x186A0, v21;
	v0 =	vsel vm15, v46, v0;
	v1 =	vadd.s32 v39, v2  }
0x90: {  	v2 =	vcvt.f32.s32 v48;
	vm0 =	vgt.s32 v0, $0x1869F;
	v6 =	vadd.s32 $0xFFFE7960, v0  }
0x91: {  	vm4 =	vlt.s32 v1, $0x0;
	v50 =	vadd.s32 $0x186A0, v1;
	v3 =	vmul.u32 $0xFFFE7960, v3  }
0x92: {  	v0 =	vsel vm0, v6, v0;
	v1 =	vsel vm4, v50, v1;
	v2 =	vmul.u32 $0xFFFE7960, v2  }
0x93: {  	v6 =	vmul.u32 $0xFFFE7960, v13;
	vm5 =	vgt.s32 v1, $0x1869F;
	v54 =	vadd.s32 $0xFFFE7960, v1  }
0x94: {  	v3 =	vadd.s32 v43, v3;
	v2 =	vadd.s32 v42, v2;
	v1 =	vsel vm5, v54, v1  }
0x95: {  	vm8 =	vlt.s32 v3, $0x0;
	v5 =	vadd.s32 $0x186A0, v3;
	v19 =	vadd.s32 v56, v6  }
0x96: {  	vm6 =	vlt.s32 v2, $0x0;
	v4 =	vadd.s32 $0x186A0, v2;
	v3 =	vsel vm8, v5, v3  }
0x97: {  	v5 =	vcvt.f32.s32 v60;
	vm13 =	vlt.s32 v19, $0x0;
	v20 =	vadd.s32 $0x186A0, v19  }
0x98: {  	v2 =	vsel vm6, v4, v2;
	v4 =	vmul.u32 $0xFFFE7960, v55;
	vm10 =	vgt.s32 v3, $0x1869F  }
0x99: {  	v12 =	vadd.s32 $0xFFFE7960, v3;
	vm7 =	vgt.s32 v2, $0x1869F;
	v59 =	vadd.s32 $0xFFFE7960, v2  }
0x9a: {  	v5 =	vmul.u32 $0xFFFE7960, v5;
	v3 =	vsel vm10, v12, v3;
	v4 =	vadd.s32 v47, v4  }
0x9b: {  	v2 =	vsel vm7, v59, v2;
	[tilespmem:$0x130] =	vst v3;
	v3 =	vsel vm14, v22, v21;
	vm9 =	vlt.s32 v4, $0x0  }
0x9c: {  	v62 =	vadd.s32 $0x186A0, v4;
	v5 =	vadd.s32 v52, v5;
	[tilespmem:$0x120] =	vst v2;
	v2 =	vsel vm13, v20, v19  }
0x9d: {  	vm0 =	vgt.s32 v3, $0x1869F;
	v25 =	vadd.s32 $0xFFFE7960, v3;
	v4 =	vsel vm9, v62, v4  }
0x9e: {  	[tilespmem:$0x100] =	vst v0;
	vm12 =	vlt.s32 v5, $0x0;
	v15 =	vadd.s32 $0x186A0, v5;
	vm15 =	vgt.s32 v2, $0x1869F  }
0x9f: {  	[tilespmem:$0x110] =	vst v1;
	v23 =	vadd.s32 $0xFFFE7960, v2;
	v26 =	vsel vm0, v25, v3;
	vm11 =	vgt.s32 v4, $0x1869F  }
0xa0: {  	v5 =	vsel vm12, v15, v5;
	v16 =	vadd.s32 $0xFFFE7960, v4;
	v24 =	vsel vm15, v23, v2;
	[tilespmem:$0x170] =	vst v26  }
0xa1: {  	vm1 =	vgt.s32 v5, $0x1869F;
	v17 =	vadd.s32 $0xFFFE7960, v5;
	v18 =	vsel vm11, v16, v4;
	[tilespmem:$0x160] =	vst v24  }
0xa2: {  	v0 =	vsel vm1, v17, v5;
	[tilespmem:$0x140] =	vst v18  }
0xa3: {  	[tilespmem:$0x150] =	vst v0  }
0xa4: {  	[tilespmem:s18], [sflag:$0x1] =	stream.indirect.gather [hbm4b:s1+s13], $0x80, s17, s13, $0xb8;
	[tilespmem:$0x10200] =	vst v63  }
0xa5: {  	v27 =	vld [tilespmem:$0x180]  }
0xa6: {  	v28 =	vld [tilespmem:$0x190]  }
0xa7: {  	v30 =	vld [tilespmem:$0x1A0]  }
0xa8: {  	v33 =	vld [tilespmem:$0x1B0]  }
0xa9: {  	v37 =	vld [tilespmem:$0x1C0]  }
0xaa: {  	v39 =	vld [tilespmem:$0x1D0];
	_ =	sdelay $0x1  }
0xab: {  	v29 =	vcvt.s32.f32 v27  }
0xac: {  	v31 =	vcvt.s32.f32 v28;
	v32 =	vcvt.s32.f32 v30  }
0xad: {  	v38 =	vcvt.s32.f32 v33;
	v44 =	vcvt.s32.f32 v37  }
0xae: {  	v46 =	vcvt.s32.f32 v39;
	v2 =	vmul.f32 $9.999999740e-06, v29  }
0xaf: {  	v4 =	vmul.f32 $9.999999740e-06, v31;
	v5 =	vmul.f32 $9.999999740e-06, v32  }
0xb0: {  	v7 =	vmul.f32 $9.999999740e-06, v38;
	v9 =	vmul.f32 $9.999999740e-06, v46  }
0xb1: {  	v2 =	vtrunc.f32 v2;
	v4 =	vtrunc.f32 v4  }
0xb2: {  	v5 =	vtrunc.f32 v5;
	v43 =	vtrunc.f32 v7  }
0xb3: {  	v48 =	vtrunc.f32 v9;
	v2 =	vcvt.f32.s32 v2  }
0xb4: {  	v34 =	vcvt.f32.s32 v4;
	v3 =	vcvt.f32.s32 v43  }
0xb5: {  	v4 =	vmul.f32 $9.999999740e-06, v44;
	v6 =	vcvt.f32.s32 v48  }
0xb6: {  	v36 =	vcvt.f32.s32 v5;
	v2 =	vmul.u32 $0xFFFE7960, v2  }
0xb7: {  	v3 =	vmul.u32 $0xFFFE7960, v3;
	v4 =	vtrunc.f32 v4;
	v6 =	vmul.u32 $0xFFFE7960, v6  }
0xb8: {  	v41 =	vmul.u32 $0xFFFE7960, v36;
	v4 =	vcvt.f32.s32 v4;
	v0 =	vadd.s32 v27, v2  }
0xb9: {  	v2 =	vmul.u32 $0xFFFE7960, v34;
	v3 =	vadd.s32 v33, v3;
	v51 =	vadd.s32 v39, v6  }
0xba: {  	vm4 =	vlt.s32 v0, $0x0;
	v35 =	vadd.s32 $0x186A0, v0;
	vm7 =	vlt.s32 v3, $0x0  }
0xbb: {  	v49 =	vadd.s32 $0x186A0, v3;
	v4 =	vmul.u32 $0xFFFE7960, v4;
	vm9 =	vlt.s32 v51, $0x0  }
0xbc: {  	v53 =	vadd.s32 $0x186A0, v51;
	v0 =	vsel vm4, v35, v0;
	v1 =	vadd.s32 v28, v2  }
0xbd: {  	v2 =	vadd.s32 v30, v41;
	v3 =	vsel vm7, v49, v3;
	vm0 =	vgt.s32 v0, $0x1869F  }
0xbe: {  	v40 =	vadd.s32 $0xFFFE7960, v0;
	vm5 =	vlt.s32 v1, $0x0;
	v42 =	vadd.s32 $0x186A0, v1  }
0xbf: {  	vm6 =	vlt.s32 v2, $0x0;
	v45 =	vadd.s32 $0x186A0, v2;
	v7 =	vadd.s32 $0xFFFE7960, v3  }
0xc0: {  	v4 =	vadd.s32 v37, v4;
	v0 =	vsel vm0, v40, v0;
	v1 =	vsel vm5, v42, v1  }
0xc1: {  	v2 =	vsel vm6, v45, v2;
	vm8 =	vlt.s32 v4, $0x0;
	v5 =	vadd.s32 $0x186A0, v4  }
0xc2: {  	vm1 =	vgt.s32 v1, $0x1869F;
	v47 =	vadd.s32 $0xFFFE7960, v1;
	vm0 =	vgt.s32 v2, $0x1869F  }
0xc3: {  	v50 =	vadd.s32 $0xFFFE7960, v2;
	[tilespmem:$0x180] =	vst v0;
	v52 =	vsel vm8, v5, v4;
	v1 =	vsel vm1, v47, v1  }
0xc4: {  	v0 =	vsel vm9, v53, v51;
	vm1 =	vgt.s32 v3, $0x1869F;
	v2 =	vsel vm0, v50, v2;
	[tilespmem:$0x190] =	vst v1  }
0xc5: {  	vm10 =	vgt.s32 v52, $0x1869F;
	v54 =	vadd.s32 $0xFFFE7960, v52;
	v3 =	vsel vm1, v7, v3;
	[tilespmem:$0x1A0] =	vst v2  }
0xc6: {  	vm11 =	vgt.s32 v0, $0x1869F;
	v55 =	vadd.s32 $0xFFFE7960, v0;
	v1 =	vsel vm10, v54, v52;
	[tilespmem:$0x1B0] =	vst v3  }
0xc7: {  	v0 =	vsel vm11, v55, v0;
	[tilespmem:$0x1C0] =	vst v1  }
0xc8: {  	[tilespmem:$0x1D0] =	vst v0  }
0xc9: {  	[tilespmem:s21], [sflag:$0x1] =	stream.indirect.gather [hbm4b:s1+s19], $0x80, s20, s19, $0xb8;
	[tilespmem:$0x10200] =	vst v63  }
0xca: {  	v56 =	vld [tilespmem:$0x1E0]  }
0xcb: {  	v57 =	vld [tilespmem:$0x1F0];
	_ =	sdelay $0x3  }
0xcc: {  	v58 =	vcvt.s32.f32 v56  }
0xcd: {  	v59 =	vcvt.s32.f32 v57  }
0xce: {  	v2 =	vmul.f32 $9.999999740e-06, v58  }
0xcf: {  	v3 =	vmul.f32 $9.999999740e-06, v59  }
0xd0: {  	v2 =	vtrunc.f32 v2  }
0xd1: {  	v3 =	vtrunc.f32 v3;
	v2 =	vcvt.f32.s32 v2  }
0xd2: {  	v3 =	vcvt.f32.s32 v3  }
0xd3: {  	v2 =	vmul.u32 $0xFFFE7960, v2  }
0xd4: {  	v3 =	vmul.u32 $0xFFFE7960, v3  }
0xd5: {  	v0 =	vadd.s32 v56, v2  }
0xd6: {  	v1 =	vadd.s32 v57, v3;
	vm12 =	vlt.s32 v0, $0x0;
	v2 =	vadd.s32 $0x186A0, v0  }
0xd7: {  	vm13 =	vlt.s32 v1, $0x0;
	v60 =	vadd.s32 $0x186A0, v1;
	v0 =	vsel vm12, v2, v0  }
0xd8: {  	v1 =	vsel vm13, v60, v1;
	vm14 =	vgt.s32 v0, $0x1869F;
	v61 =	vadd.s32 $0xFFFE7960, v0  }
0xd9: {  	vm15 =	vgt.s32 v1, $0x1869F;
	v62 =	vadd.s32 $0xFFFE7960, v1;
	v0 =	vsel vm14, v61, v0  }
0xda: {  	v63 =	vsel vm15, v62, v1;
	[tilespmem:$0x1E0] =	vst v0  }
0xdb: {  	[tilespmem:$0x1F0] =	vst v63  }
0xdc: {  	[tilespmem:s24], [sflag:$0x1] =	stream.indirect.gather [hbm4b:s1+s22], $0x80, s23, s22, $0xb8;
	[tilespmem:$0x10200] =	vst v63  }
0xdd: {  	_ =	swait.ge [sflag:s25], $0x4000  }
0xde: {  	[sflag:s25] =	ssyncset.done $0x0  }
0xdf: {  	[sflag:s25] =	ssyncadd.s32 $0xFFFFC000  }
0xe0: {  	[hbm4b:s5+s3] =	stream.linear.scatter [tilespmem:s14], [sflag:$0x2], $0x4000, $0x38;
	[tilespmem:$0x10200] =	vst v63  }
0xe1: {  	_ =	swait.ge [sflag:s25], $0x4000  }
0xe2: {  	[sflag:s25] =	ssyncset.done $0x0  }
0xe3: {  	[sflag:s25] =	ssyncadd.s32 $0xFFFFC000  }
0xe4: {  	[hbm4b:s7+s3] =	stream.linear.scatter [tilespmem:s16], [sflag:$0x2], $0x4000, $0x38;
	[tilespmem:$0x10200] =	vst v63  }
0xe5: {  	_ =	swait.ge [sflag:s25], $0x4000  }
0xe6: {  	[sflag:s25] =	ssyncset.done $0x0  }
0xe7: {  	[sflag:s25] =	ssyncadd.s32 $0xFFFFC000  }
0xe8: {  	[hbm4b:s8+s3] =	stream.linear.scatter [tilespmem:s18], [sflag:$0x2], $0x4000, $0x38;
	[tilespmem:$0x10200] =	vst v63  }
0xe9: {  	_ =	swait.ge [sflag:s25], $0x3000  }
0xea: {  	[sflag:s25] =	ssyncset.done $0x0  }
0xeb: {  	[sflag:s25] =	ssyncadd.s32 $0xFFFFD000  }
0xec: {  	[hbm4b:s9+s3] =	stream.linear.scatter [tilespmem:s21], [sflag:$0x2], $0x3000, $0x38;
	[tilespmem:$0x10200] =	vst v63  }
0xed: {  	_ =	swait.ge [sflag:s25], $0x1000  }
0xee: {  	[sflag:s25] =	ssyncset.done $0x0  }
0xef: {  	[sflag:s25] =	ssyncadd.s32 $0xFFFFF000  }
0xf0: {  	[hbm4b:s10+s3] =	stream.linear.scatter [tilespmem:s24], [sflag:$0x2], $0x1000, $0x38;
	[tilespmem:$0x10200] =	vst v63  }
0xf1: {  	_ =	swait.ge [sflag:s26], $0x4000  }
0xf2: {  	[sflag:s26] =	ssyncset.done $0x0  }
0xf3: {  	[sflag:s26] =	ssyncadd.s32 $0xFFFFC000  }
0xf4: {  	_ =	swait.ge [sflag:s26], $0x4000  }
0xf5: {  	[sflag:s26] =	ssyncset.done $0x0  }
0xf6: {  	[sflag:s26] =	ssyncadd.s32 $0xFFFFC000  }
0xf7: {  	_ =	swait.ge [sflag:s26], $0x4000  }
0xf8: {  	[sflag:s26] =	ssyncset.done $0x0  }
0xf9: {  	[sflag:s26] =	ssyncadd.s32 $0xFFFFC000  }
0xfa: {  	p0 =	sne.s32 s11, $0x1;
	_ =	swait.ge [sflag:s26], $0x3000  }
.Ltmp0:
0xfb: {  	[sflag:s26] =	ssyncset.done $0x0;
	(pc) =	sbr.rel @p0 .LBB2_1-.Ltmp0, $4  }
0xfc: {  	[sflag:s26] =	ssyncadd.s32 $0xFFFFD000  }
0xfd: {  	_ =	swait.ge [sflag:s26], $0x1000  }
0xfe: {  	[sflag:s26] =	ssyncset.done $0x0  }
0xff: {  	s11 =	sadd.s32 $0xFFFFFFFF, s11;
	[sflag:s26] =	ssyncadd.s32 $0xFFFFF000  }
0x100: {  	_ =	sfence.sel $0x180000  }
0x101: {  	[bflag:$0x0] =	sbarrier.arrive $0xFFFF  }
0x102: {  	p0 =	sne.s32 s2, $0x0;
	_ =	strace $0x90000047  }
0x103: {  	s0 =	sadd.s32 @!p0 $0x100000, s0;
	[bflag:$0x2] =	sbarrier.arrive $0xFFFF  }
0x104: {  	[sflag:s0] =	ssyncadd.tile.s32 @!p0 $0x1;
	_ =	shalt  }
.Lfunc_end2:
_tile_overlayer_lowered:
.L_overlay_start_2:
0x105: {  	(tag) =	ssettag $0x2  }
0x106: {  	s0 =	rddreg [dreg:$0x0];
	s2 =	stileid.u32  }
0x107: {  	s1 =	rddreg [dreg:$0x1];
	p0 =	sne.s32 s2, $0x0  }
0x108: {  	s3 =	rddreg [dreg:$0x2];
	[bflag:$0x3] =	sbarrier.arrive $0xFFFF;
	s2 =	simm.s32 @!p0 $0x1C04  }
0x109: {  	[timem:s3], [sflag:s2] =	dma.local @!p0 [hbm:s0], s1  }
0x10a: {  	s0 =	simm.s32 @!p0 $0x4  }
0x10b: {  	_ =	swait.ge @!p0 [sflag:s0], s1  }
0x10c: {  	s1 =	ssub.s32 @!p0 $0x0, s1;
	[sflag:s0] =	ssyncset.done @!p0 $0x0  }
0x10d: {  	[sflag:s0] =	ssyncadd.s32 @!p0 s1  }
0x10e: {  	[bflag:$0x3] =	sbarrier.arrive $0xFFFF  }
0x10f: {  	_ =	shalt  }

</sc_bundles>
